<compile_context>
chip_gen: v7x
topology: tpu7x:2x2x1
jax: 0.10.2.dev20260603
libtpu: 0.0.44.dev20260713+nightly
codegen_flags: <defaults>
</compile_context>

<pallas_src>
import functools

import jax
import jax.numpy as jnp
from jax import lax
from jax.experimental import pallas as pl
from jax.experimental.pallas import tpu as pltpu
from jax.experimental.pallas import tpu_sc as plsc

N = 10000
E = 320000
D = 128
NSUB = 16
B = 128
NB = 157
E_PAD = NSUB * NB * B
NPAD = 10240
R_TILE = NPAD // NSUB


def _sc_segment_sums(x_pad, e_pad):
    mesh = plsc.VectorSubcoreMesh(core_axis_name="c", subcore_axis_name="s")

    @functools.partial(
        pl.kernel,
        mesh=mesh,
        out_type=(jax.ShapeDtypeStruct((2, NPAD, D), jnp.float32),
                  jax.ShapeDtypeStruct((2, NPAD), jnp.float32)),
        scratch_types=[
            pltpu.VMEM((B,), jnp.int32),
            pltpu.VMEM((B,), jnp.int32),
            pltpu.VMEM((B, D), jnp.float32),
            pltpu.VMEM((B,), jnp.float32),
            pltpu.VMEM((R_TILE,), jnp.float32),
            pltpu.VMEM_SHARED((NPAD, D), jnp.float32),
            pltpu.VMEM_SHARED((NPAD,), jnp.float32),
        ],
    )
    def k(x_hbm, e_hbm, out_hbm, deg_hbm,
          gidx, sidx, rows, ones, zed, acc, dacc):
        c = lax.axis_index("c")
        s = lax.axis_index("s")
        zvec = jnp.zeros((16,), jnp.float32)
        ovec = jnp.ones((16,), jnp.float32)

        def zrow(i, carry):
            for kk in range(D // 16):
                rows[i, pl.ds(kk * 16, 16)] = zvec
            return carry
        lax.fori_loop(0, B, zrow, 0)
        for j in range(B // 16):
            ones[pl.ds(j * 16, 16)] = ovec
        def zdeg(i, carry):
            zed[pl.ds(i * 16, 16)] = zvec
            return carry
        lax.fori_loop(0, R_TILE // 16, zdeg, 0)
        rbase = s * R_TILE
        for j in range(R_TILE // B):
            pltpu.sync_copy(rows, acc.at[pl.ds(rbase + j * B, B)])
        pltpu.sync_copy(zed, dacc.at[pl.ds(rbase, R_TILE)])
        plsc.subcore_barrier()

        ebase = s * NB * B

        def body(i, carry):
            base = ebase + i * B
            pltpu.sync_copy(e_hbm.at[c, pl.ds(base, B)], gidx)
            pltpu.sync_copy(e_hbm.at[1 - c, pl.ds(base, B)], sidx)
            pltpu.sync_copy(x_hbm.at[gidx], rows)
            pltpu.sync_copy(rows, acc.at[sidx], add=True)
            pltpu.sync_copy(ones, dacc.at[sidx], add=True)
            return carry

        lax.fori_loop(0, NB, body, 0)
        plsc.subcore_barrier()

        pltpu.sync_copy(acc.at[pl.ds(rbase, R_TILE)],
                        out_hbm.at[c, pl.ds(rbase, R_TILE)])
        pltpu.sync_copy(dacc.at[pl.ds(rbase, R_TILE)],
                        deg_hbm.at[c, pl.ds(rbase, R_TILE)])

    return k(x_pad, e_pad)


def _tc_combine(sums, degs, x_pad, Wlt, Wrt, Wdt, b_l, b_d):
    BN = 1024
    grid = (NPAD // BN,)

    def body(a_ref, d_ref, x_ref, wl_ref, wr_ref, wd_ref, bl_ref, bd_ref,
             o_ref):
        afwd = a_ref[0]
        arev = a_ref[1]
        din = d_ref[0]
        dout = d_ref[1]
        xb = x_ref[...]
        agg = afwd / jnp.maximum(din, 1.0)
        hp = jax.lax.Precision.HIGHEST
        h = jnp.maximum(jnp.dot(agg, wl_ref[...], precision=hp)
                        + jnp.dot(xb, wr_ref[...], precision=hp)
                        + bl_ref[...], 0.0)
        o_ref[...] = (h + jnp.dot(arev - dout * xb, wd_ref[...], precision=hp)
                      + dout * bd_ref[...])

    return pl.pallas_call(
        body,
        grid=grid,
        in_specs=[
            pl.BlockSpec((2, BN, D), lambda i: (0, i, 0)),
            pl.BlockSpec((2, BN, 1), lambda i: (0, i, 0)),
            pl.BlockSpec((BN, D), lambda i: (i, 0)),
            pl.BlockSpec((D, D), lambda i: (0, 0)),
            pl.BlockSpec((D, D), lambda i: (0, 0)),
            pl.BlockSpec((D, D), lambda i: (0, 0)),
            pl.BlockSpec((1, D), lambda i: (0, 0)),
            pl.BlockSpec((1, D), lambda i: (0, 0)),
        ],
        out_specs=pl.BlockSpec((BN, D), lambda i: (i, 0)),
        out_shape=jax.ShapeDtypeStruct((NPAD, D), jnp.float32),
    )(sums, degs, x_pad, Wlt, Wrt, Wdt, b_l, b_d)


def kernel(x, edge_index, W_l, b_l, W_r, W_d, b_d):
    x = x.astype(jnp.float32)
    x_pad = jnp.concatenate(
        [x, jnp.zeros((NPAD - N, D), jnp.float32)], axis=0)
    e = edge_index.astype(jnp.int32)
    e_pad = jnp.concatenate(
        [e, jnp.full((2, E_PAD - E), N, jnp.int32)], axis=1)
    sums, degs = _sc_segment_sums(x_pad, e_pad)
    out = _tc_combine(sums, degs[:, :, None], x_pad,
                      W_l.T, W_r.T, W_d.T, b_l[None, :], b_d[None, :])
    return out[:N]

# --- scband reference (transcript-rebuilt; emitter-appended) ---
"""Pipeline reference for scband-hetero-graph-sage-34342558499356 (READ-ONLY COPY).

The authoritative reference and input builder live on the scoring server;
editing this copy changes nothing except your own understanding.
"""

import jax, jax.numpy as jnp
import numpy as np

N = 10000
E = 320000
D_IN = 128
D_OUT = 128


def setup_inputs(seed: int = 0) -> dict:
    key = jax.random.key(seed)
    k1, k2, k3, k4, k5, k6, k7 = jax.random.split(key, 7)
    x = jax.random.normal(k1, (N, D_IN), dtype=jnp.float32)
    edge_index = jax.random.randint(k2, (2, E), 0, N)
    # SAGEConv parameters: lin_l (neighbor agg path, with bias), lin_r (root path, no bias)
    s = 1.0 / np.sqrt(D_IN)
    W_l = jax.random.uniform(k3, (D_OUT, D_IN), dtype=jnp.float32, minval=-s, maxval=s)
    b_l = jax.random.uniform(k4, (D_OUT,), dtype=jnp.float32, minval=-s, maxval=s)
    W_r = jax.random.uniform(k5, (D_OUT, D_IN), dtype=jnp.float32, minval=-s, maxval=s)
    # diff_proj: Linear(in_channels, out_channels) with bias
    W_d = jax.random.uniform(k6, (D_OUT, D_IN), dtype=jnp.float32, minval=-s, maxval=s)
    b_d = jax.random.uniform(k7, (D_OUT,), dtype=jnp.float32, minval=-s, maxval=s)
    return {"x": x, "edge_index": edge_index, "W_l": W_l, "b_l": b_l, "W_r": W_r, "W_d": W_d, "b_d": b_d}


def reference(x, edge_index, W_l, b_l, W_r, W_d, b_d):
    row = edge_index[0]  # source nodes
    col = edge_index[1]  # target nodes
    # SAGEConv with mean aggregation: messages x[row] aggregated at col
    msg = jnp.take(x, row, axis=0)
    agg = jax.ops.segment_sum(msg, col, num_segments=N)
    deg = jax.ops.segment_sum(jnp.ones((E,), dtype=jnp.float32), col, num_segments=N)
    agg = agg / jnp.clip(deg, 1.0, None)[:, None]
    h = agg @ W_l.T + b_l + x @ W_r.T
    h = jax.nn.relu(h)
    # diff message: diff = x[col] - x[row]; index_add_ onto row
    diff = jnp.take(x, col, axis=0) - jnp.take(x, row, axis=0)
    diff_m = diff @ W_d.T + b_d
    diff_msg = jnp.zeros_like(h).at[row].add(diff_m)
    return h + diff_msg

if __name__ == "__main__":
    import jax
    _d = setup_inputs()
    print(jax.jit(kernel)(*tuple(_d.values())))

</pallas_src>

<mosaic_0001>
#map = affine_map<(d0, d1) -> (0, 0)>
#map1 = affine_map<(d0, d1) -> (0, 0, 0)>
module attributes {stable_mosaic.version = 14 : i64} {
  func.func @k(%arg0: i32, %arg1: i32, %arg2: memref<10240x128xf32, #tpu.memory_space<hbm>>, %arg3: memref<2x321536xi32, #tpu.memory_space<hbm>>, %arg4: memref<2x10240x128xf32, #tpu.memory_space<hbm>>, %arg5: memref<2x10240xf32, #tpu.memory_space<hbm>>, %arg6: memref<128xi32, #tpu.memory_space<vmem>>, %arg7: memref<128xi32, #tpu.memory_space<vmem>>, %arg8: memref<128x128xf32, #tpu.memory_space<vmem>>, %arg9: memref<128xf32, #tpu.memory_space<vmem>>, %arg10: memref<640xf32, #tpu.memory_space<vmem>>, %arg11: memref<10240x128xf32, #tpu.memory_space<vmem_shared>>, %arg12: memref<10240xf32, #tpu.memory_space<vmem_shared>>) attributes {dimension_semantics = [#tpu.dimension_semantics<core_parallel>, #tpu.dimension_semantics<subcore_parallel>], iteration_bounds = array<i64: 2, 16>, scalar_prefetch = 0 : i64, scratch_operands = 7 : i64, tpu.core_type = #tpu.core_type<sc_vector_subcore>, window_params = [{transform_indices = #map}, {transform_indices = #map}, {transform_indices = #map1}, {transform_indices = #map}]} {
    %broadcast_in_dim3A = arith.constant 0.000000e+00 : f32
    %broadcast_in_dim3A_0 = vector.broadcast %broadcast_in_dim3A : f32 to vector<16xf32>
    %broadcast_in_dim3A_1 = arith.constant 1.000000e+00 : f32
    %broadcast_in_dim3A_2 = vector.broadcast %broadcast_in_dim3A_1 : f32 to vector<16xf32>
    %scan3A = arith.constant 0 : i32
    %scan3A_3 = arith.constant 0 : i32
    %scan3A_4 = arith.constant 128 : i32
    %scan3A_5 = arith.addi %scan3A_3, %scan3A_4 : i32
    %scan3A_6 = arith.constant 1 : i32
    scf.for %scan3A_66 = %scan3A_3 to %scan3A_5 step %scan3A_6  : i32 {
      %swap3A_67 = arith.index_cast %scan3A_66 : i32 to index
      %swap3A_68 = arith.constant 0 : index
      %swap3A_69 = tpu.vector_load %arg8[%swap3A_67, %swap3A_68] {strides = array<i32>} : memref<128x128xf32, #tpu.memory_space<vmem>>, vector<1x16xf32>,
      %swap3A_70 = vector.shape_cast %swap3A_69 : vector<1x16xf32> to vector<16xf32>
      %swap3A_71 = vector.shape_cast %broadcast_in_dim3A_0 : vector<16xf32> to vector<1x16xf32>
      tpu.vector_store %arg8[%swap3A_67, %swap3A_68], %swap3A_71 {strides = array<i32>} : memref<128x128xf32, #tpu.memory_space<vmem>>, vector<1x16xf32>,
      %swap3A_72 = arith.index_cast %scan3A_66 : i32 to index
      %swap3A_73 = arith.constant 16 : index
      %swap3A_74 = tpu.vector_load %arg8[%swap3A_72, %swap3A_73] {strides = array<i32>} : memref<128x128xf32, #tpu.memory_space<vmem>>, vector<1x16xf32>,
      %swap3A_75 = vector.shape_cast %swap3A_74 : vector<1x16xf32> to vector<16xf32>
      %swap3A_76 = vector.shape_cast %broadcast_in_dim3A_0 : vector<16xf32> to vector<1x16xf32>
      tpu.vector_store %arg8[%swap3A_72, %swap3A_73], %swap3A_76 {strides = array<i32>} : memref<128x128xf32, #tpu.memory_space<vmem>>, vector<1x16xf32>,
      %swap3A_77 = arith.index_cast %scan3A_66 : i32 to index
      %swap3A_78 = arith.constant 32 : index
      %swap3A_79 = tpu.vector_load %arg8[%swap3A_77, %swap3A_78] {strides = array<i32>} : memref<128x128xf32, #tpu.memory_space<vmem>>, vector<1x16xf32>,
      %swap3A_80 = vector.shape_cast %swap3A_79 : vector<1x16xf32> to vector<16xf32>
      %swap3A_81 = vector.shape_cast %broadcast_in_dim3A_0 : vector<16xf32> to vector<1x16xf32>
      tpu.vector_store %arg8[%swap3A_77, %swap3A_78], %swap3A_81 {strides = array<i32>} : memref<128x128xf32, #tpu.memory_space<vmem>>, vector<1x16xf32>,
      %swap3A_82 = arith.index_cast %scan3A_66 : i32 to index
      %swap3A_83 = arith.constant 48 : index
      %swap3A_84 = tpu.vector_load %arg8[%swap3A_82, %swap3A_83] {strides = array<i32>} : memref<128x128xf32, #tpu.memory_space<vmem>>, vector<1x16xf32>,
      %swap3A_85 = vector.shape_cast %swap3A_84 : vector<1x16xf32> to vector<16xf32>
      %swap3A_86 = vector.shape_cast %broadcast_in_dim3A_0 : vector<16xf32> to vector<1x16xf32>
      tpu.vector_store %arg8[%swap3A_82, %swap3A_83], %swap3A_86 {strides = array<i32>} : memref<128x128xf32, #tpu.memory_space<vmem>>, vector<1x16xf32>,
      %swap3A_87 = arith.index_cast %scan3A_66 : i32 to index
      %swap3A_88 = arith.constant 64 : index
      %swap3A_89 = tpu.vector_load %arg8[%swap3A_87, %swap3A_88] {strides = array<i32>} : memref<128x128xf32, #tpu.memory_space<vmem>>, vector<1x16xf32>,
      %swap3A_90 = vector.shape_cast %swap3A_89 : vector<1x16xf32> to vector<16xf32>
      %swap3A_91 = vector.shape_cast %broadcast_in_dim3A_0 : vector<16xf32> to vector<1x16xf32>
      tpu.vector_store %arg8[%swap3A_87, %swap3A_88], %swap3A_91 {strides = array<i32>} : memref<128x128xf32, #tpu.memory_space<vmem>>, vector<1x16xf32>,
      %swap3A_92 = arith.index_cast %scan3A_66 : i32 to index
      %swap3A_93 = arith.constant 80 : index
      %swap3A_94 = tpu.vector_load %arg8[%swap3A_92, %swap3A_93] {strides = array<i32>} : memref<128x128xf32, #tpu.memory_space<vmem>>, vector<1x16xf32>,
      %swap3A_95 = vector.shape_cast %swap3A_94 : vector<1x16xf32> to vector<16xf32>
      %swap3A_96 = vector.shape_cast %broadcast_in_dim3A_0 : vector<16xf32> to vector<1x16xf32>
      tpu.vector_store %arg8[%swap3A_92, %swap3A_93], %swap3A_96 {strides = array<i32>} : memref<128x128xf32, #tpu.memory_space<vmem>>, vector<1x16xf32>,
      %swap3A_97 = arith.index_cast %scan3A_66 : i32 to index
      %swap3A_98 = arith.constant 96 : index
      %swap3A_99 = tpu.vector_load %arg8[%swap3A_97, %swap3A_98] {strides = array<i32>} : memref<128x128xf32, #tpu.memory_space<vmem>>, vector<1x16xf32>,
      %swap3A_100 = vector.shape_cast %swap3A_99 : vector<1x16xf32> to vector<16xf32>
      %swap3A_101 = vector.shape_cast %broadcast_in_dim3A_0 : vector<16xf32> to vector<1x16xf32>
      tpu.vector_store %arg8[%swap3A_97, %swap3A_98], %swap3A_101 {strides = array<i32>} : memref<128x128xf32, #tpu.memory_space<vmem>>, vector<1x16xf32>,
      %swap3A_102 = arith.index_cast %scan3A_66 : i32 to index
      %swap3A_103 = arith.constant 112 : index
      %swap3A_104 = tpu.vector_load %arg8[%swap3A_102, %swap3A_103] {strides = array<i32>} : memref<128x128xf32, #tpu.memory_space<vmem>>, vector<1x16xf32>,
      %swap3A_105 = vector.shape_cast %swap3A_104 : vector<1x16xf32> to vector<16xf32>
      %swap3A_106 = vector.shape_cast %broadcast_in_dim3A_0 : vector<16xf32> to vector<1x16xf32>
      tpu.vector_store %arg8[%swap3A_102, %swap3A_103], %swap3A_106 {strides = array<i32>} : memref<128x128xf32, #tpu.memory_space<vmem>>, vector<1x16xf32>,
    }
    %scan3A_7 = arith.constant 128 : i32
    %swap3A = arith.constant 0 : index
    %swap3A_8 = tpu.vector_load %arg9[%swap3A] {strides = array<i32>} : memref<128xf32, #tpu.memory_space<vmem>>, vector<16xf32>,
    %swap3A_9 = vector.shape_cast %swap3A_8 : vector<16xf32> to vector<16xf32>
    %swap3A_10 = vector.shape_cast %broadcast_in_dim3A_2 : vector<16xf32> to vector<16xf32>
    tpu.vector_store %arg9[%swap3A], %swap3A_10 {strides = array<i32>} : memref<128xf32, #tpu.memory_space<vmem>>, vector<16xf32>,
    %swap3A_11 = arith.constant 16 : index
    %swap3A_12 = tpu.vector_load %arg9[%swap3A_11] {strides = array<i32>} : memref<128xf32, #tpu.memory_space<vmem>>, vector<16xf32>,
    %swap3A_13 = vector.shape_cast %swap3A_12 : vector<16xf32> to vector<16xf32>
    %swap3A_14 = vector.shape_cast %broadcast_in_dim3A_2 : vector<16xf32> to vector<16xf32>
    tpu.vector_store %arg9[%swap3A_11], %swap3A_14 {strides = array<i32>} : memref<128xf32, #tpu.memory_space<vmem>>, vector<16xf32>,
    %swap3A_15 = arith.constant 32 : index
    %swap3A_16 = tpu.vector_load %arg9[%swap3A_15] {strides = array<i32>} : memref<128xf32, #tpu.memory_space<vmem>>, vector<16xf32>,
    %swap3A_17 = vector.shape_cast %swap3A_16 : vector<16xf32> to vector<16xf32>
    %swap3A_18 = vector.shape_cast %broadcast_in_dim3A_2 : vector<16xf32> to vector<16xf32>
    tpu.vector_store %arg9[%swap3A_15], %swap3A_18 {strides = array<i32>} : memref<128xf32, #tpu.memory_space<vmem>>, vector<16xf32>,
    %swap3A_19 = arith.constant 48 : index
    %swap3A_20 = tpu.vector_load %arg9[%swap3A_19] {strides = array<i32>} : memref<128xf32, #tpu.memory_space<vmem>>, vector<16xf32>,
    %swap3A_21 = vector.shape_cast %swap3A_20 : vector<16xf32> to vector<16xf32>
    %swap3A_22 = vector.shape_cast %broadcast_in_dim3A_2 : vector<16xf32> to vector<16xf32>
    tpu.vector_store %arg9[%swap3A_19], %swap3A_22 {strides = array<i32>} : memref<128xf32, #tpu.memory_space<vmem>>, vector<16xf32>,
    %swap3A_23 = arith.constant 64 : index
    %swap3A_24 = tpu.vector_load %arg9[%swap3A_23] {strides = array<i32>} : memref<128xf32, #tpu.memory_space<vmem>>, vector<16xf32>,
    %swap3A_25 = vector.shape_cast %swap3A_24 : vector<16xf32> to vector<16xf32>
    %swap3A_26 = vector.shape_cast %broadcast_in_dim3A_2 : vector<16xf32> to vector<16xf32>
    tpu.vector_store %arg9[%swap3A_23], %swap3A_26 {strides = array<i32>} : memref<128xf32, #tpu.memory_space<vmem>>, vector<16xf32>,
    %swap3A_27 = arith.constant 80 : index
    %swap3A_28 = tpu.vector_load %arg9[%swap3A_27] {strides = array<i32>} : memref<128xf32, #tpu.memory_space<vmem>>, vector<16xf32>,
    %swap3A_29 = vector.shape_cast %swap3A_28 : vector<16xf32> to vector<16xf32>
    %swap3A_30 = vector.shape_cast %broadcast_in_dim3A_2 : vector<16xf32> to vector<16xf32>
    tpu.vector_store %arg9[%swap3A_27], %swap3A_30 {strides = array<i32>} : memref<128xf32, #tpu.memory_space<vmem>>, vector<16xf32>,
    %swap3A_31 = arith.constant 96 : index
    %swap3A_32 = tpu.vector_load %arg9[%swap3A_31] {strides = array<i32>} : memref<128xf32, #tpu.memory_space<vmem>>, vector<16xf32>,
    %swap3A_33 = vector.shape_cast %swap3A_32 : vector<16xf32> to vector<16xf32>
    %swap3A_34 = vector.shape_cast %broadcast_in_dim3A_2 : vector<16xf32> to vector<16xf32>
    tpu.vector_store %arg9[%swap3A_31], %swap3A_34 {strides = array<i32>} : memref<128xf32, #tpu.memory_space<vmem>>, vector<16xf32>,
    %swap3A_35 = arith.constant 112 : index
    %swap3A_36 = tpu.vector_load %arg9[%swap3A_35] {strides = array<i32>} : memref<128xf32, #tpu.memory_space<vmem>>, vector<16xf32>,
    %swap3A_37 = vector.shape_cast %swap3A_36 : vector<16xf32> to vector<16xf32>
    %swap3A_38 = vector.shape_cast %broadcast_in_dim3A_2 : vector<16xf32> to vector<16xf32>
    tpu.vector_store %arg9[%swap3A_35], %swap3A_38 {strides = array<i32>} : memref<128xf32, #tpu.memory_space<vmem>>, vector<16xf32>,
    %scan3A_39 = arith.constant 0 : i32
    %scan3A_40 = arith.constant 0 : i32
    %scan3A_41 = arith.constant 40 : i32
    %scan3A_42 = arith.addi %scan3A_40, %scan3A_41 : i32
    %scan3A_43 = arith.constant 1 : i32
    scf.for %scan3A_66 = %scan3A_40 to %scan3A_42 step %scan3A_43  : i32 {
      %mul3A_67 = arith.constant 16 : i32
      %mul3A_68 = arith.muli %scan3A_66, %mul3A_67 : i32
      %swap3A_69 = arith.index_cast %mul3A_68 : i32 to index
      %swap3A_70 = tpu.vector_load %arg10[%swap3A_69] {strides = array<i32>} : memref<640xf32, #tpu.memory_space<vmem>>, vector<16xf32>,
      %swap3A_71 = vector.shape_cast %swap3A_70 : vector<16xf32> to vector<16xf32>
      %swap3A_72 = vector.shape_cast %broadcast_in_dim3A_0 : vector<16xf32> to vector<16xf32>
      tpu.vector_store %arg10[%swap3A_69], %swap3A_72 {strides = array<i32>} : memref<640xf32, #tpu.memory_space<vmem>>, vector<16xf32>,
    }
    %scan3A_44 = arith.constant 40 : i32
    %mul3A = arith.constant 640 : i32
    %mul3A_45 = arith.muli %arg1, %mul3A : i32
    %add3A = arith.constant 0 : i32
    %add3A_46 = arith.addi %mul3A_45, %add3A : i32
    "tpu.region"() ({
      %run_scoped3A = tpu.sem_alloc : memref<!tpu.dma_semaphore, #tpu.memory_space<semaphore_mem>>
      %dma_start3A = arith.constant 0 : i32
      %dma_start3A_66 = tpu.memref_slice %arg11[%add3A_46, %dma_start3A] : memref<10240x128xf32, #tpu.memory_space<vmem_shared>> -> memref<128x128xf32, #tpu.memory_space<vmem_shared>>
      %dma_start3A_67 = arith.constant 0 : i32
      %dma_start3A_68 = tpu.memref_slice %arg11[%add3A_46, %dma_start3A_67] : memref<10240x128xf32, #tpu.memory_space<vmem_shared>> -> memref<128x128xf32, #tpu.memory_space<vmem_shared>>
      tpu.enqueue_dma source(%arg8 : memref<128x128xf32, #tpu.memory_space<vmem>>) target(%dma_start3A_68 : memref<128x128xf32, #tpu.memory_space<vmem_shared>>) target_semaphore(%run_scoped3A : memref<!tpu.dma_semaphore, #tpu.memory_space<semaphore_mem>>)
      %dma_wait3A = arith.constant 0 : i32
      %dma_wait3A_69 = tpu.memref_slice %arg11[%add3A_46, %dma_wait3A] : memref<10240x128xf32, #tpu.memory_space<vmem_shared>> -> memref<128x128xf32, #tpu.memory_space<vmem_shared>>
      %dma_wait3A_70 = arith.constant 0 : i32
      %dma_wait3A_71 = tpu.memref_slice %arg11[%add3A_46, %dma_wait3A_70] : memref<10240x128xf32, #tpu.memory_space<vmem_shared>> -> memref<128x128xf32, #tpu.memory_space<vmem_shared>>
      tpu.wait_dma2 semaphore(%run_scoped3A : memref<!tpu.dma_semaphore, #tpu.memory_space<semaphore_mem>>) src(%arg8 : memref<128x128xf32, #tpu.memory_space<vmem>>) dst(%dma_wait3A_71 : memref<128x128xf32, #tpu.memory_space<vmem_shared>>)
      tpu.yield
    }) : () -> ()
    %add3A_47 = arith.constant 128 : i32
    %add3A_48 = arith.addi %mul3A_45, %add3A_47 : i32
    "tpu.region"() ({
      %run_scoped3A = tpu.sem_alloc : memref<!tpu.dma_semaphore, #tpu.memory_space<semaphore_mem>>
      %dma_start3A = arith.constant 0 : i32
      %dma_start3A_66 = tpu.memref_slice %arg11[%add3A_48, %dma_start3A] : memref<10240x128xf32, #tpu.memory_space<vmem_shared>> -> memref<128x128xf32, #tpu.memory_space<vmem_shared>>
      %dma_start3A_67 = arith.constant 0 : i32
      %dma_start3A_68 = tpu.memref_slice %arg11[%add3A_48, %dma_start3A_67] : memref<10240x128xf32, #tpu.memory_space<vmem_shared>> -> memref<128x128xf32, #tpu.memory_space<vmem_shared>>
      tpu.enqueue_dma source(%arg8 : memref<128x128xf32, #tpu.memory_space<vmem>>) target(%dma_start3A_68 : memref<128x128xf32, #tpu.memory_space<vmem_shared>>) target_semaphore(%run_scoped3A : memref<!tpu.dma_semaphore, #tpu.memory_space<semaphore_mem>>)
      %dma_wait3A = arith.constant 0 : i32
      %dma_wait3A_69 = tpu.memref_slice %arg11[%add3A_48, %dma_wait3A] : memref<10240x128xf32, #tpu.memory_space<vmem_shared>> -> memref<128x128xf32, #tpu.memory_space<vmem_shared>>
      %dma_wait3A_70 = arith.constant 0 : i32
      %dma_wait3A_71 = tpu.memref_slice %arg11[%add3A_48, %dma_wait3A_70] : memref<10240x128xf32, #tpu.memory_space<vmem_shared>> -> memref<128x128xf32, #tpu.memory_space<vmem_shared>>
      tpu.wait_dma2 semaphore(%run_scoped3A : memref<!tpu.dma_semaphore, #tpu.memory_space<semaphore_mem>>) src(%arg8 : memref<128x128xf32, #tpu.memory_space<vmem>>) dst(%dma_wait3A_71 : memref<128x128xf32, #tpu.memory_space<vmem_shared>>)
      tpu.yield
    }) : () -> ()
    %add3A_49 = arith.constant 256 : i32
    %add3A_50 = arith.addi %mul3A_45, %add3A_49 : i32
    "tpu.region"() ({
      %run_scoped3A = tpu.sem_alloc : memref<!tpu.dma_semaphore, #tpu.memory_space<semaphore_mem>>
      %dma_start3A = arith.constant 0 : i32
      %dma_start3A_66 = tpu.memref_slice %arg11[%add3A_50, %dma_start3A] : memref<10240x128xf32, #tpu.memory_space<vmem_shared>> -> memref<128x128xf32, #tpu.memory_space<vmem_shared>>
      %dma_start3A_67 = arith.constant 0 : i32
      %dma_start3A_68 = tpu.memref_slice %arg11[%add3A_50, %dma_start3A_67] : memref<10240x128xf32, #tpu.memory_space<vmem_shared>> -> memref<128x128xf32, #tpu.memory_space<vmem_shared>>
      tpu.enqueue_dma source(%arg8 : memref<128x128xf32, #tpu.memory_space<vmem>>) target(%dma_start3A_68 : memref<128x128xf32, #tpu.memory_space<vmem_shared>>) target_semaphore(%run_scoped3A : memref<!tpu.dma_semaphore, #tpu.memory_space<semaphore_mem>>)
      %dma_wait3A = arith.constant 0 : i32
      %dma_wait3A_69 = tpu.memref_slice %arg11[%add3A_50, %dma_wait3A] : memref<10240x128xf32, #tpu.memory_space<vmem_shared>> -> memref<128x128xf32, #tpu.memory_space<vmem_shared>>
      %dma_wait3A_70 = arith.constant 0 : i32
      %dma_wait3A_71 = tpu.memref_slice %arg11[%add3A_50, %dma_wait3A_70] : memref<10240x128xf32, #tpu.memory_space<vmem_shared>> -> memref<128x128xf32, #tpu.memory_space<vmem_shared>>
      tpu.wait_dma2 semaphore(%run_scoped3A : memref<!tpu.dma_semaphore, #tpu.memory_space<semaphore_mem>>) src(%arg8 : memref<128x128xf32, #tpu.memory_space<vmem>>) dst(%dma_wait3A_71 : memref<128x128xf32, #tpu.memory_space<vmem_shared>>)
      tpu.yield
    }) : () -> ()
    %add3A_51 = arith.constant 384 : i32
    %add3A_52 = arith.addi %mul3A_45, %add3A_51 : i32
    "tpu.region"() ({
      %run_scoped3A = tpu.sem_alloc : memref<!tpu.dma_semaphore, #tpu.memory_space<semaphore_mem>>
      %dma_start3A = arith.constant 0 : i32
      %dma_start3A_66 = tpu.memref_slice %arg11[%add3A_52, %dma_start3A] : memref<10240x128xf32, #tpu.memory_space<vmem_shared>> -> memref<128x128xf32, #tpu.memory_space<vmem_shared>>
      %dma_start3A_67 = arith.constant 0 : i32
      %dma_start3A_68 = tpu.memref_slice %arg11[%add3A_52, %dma_start3A_67] : memref<10240x128xf32, #tpu.memory_space<vmem_shared>> -> memref<128x128xf32, #tpu.memory_space<vmem_shared>>
      tpu.enqueue_dma source(%arg8 : memref<128x128xf32, #tpu.memory_space<vmem>>) target(%dma_start3A_68 : memref<128x128xf32, #tpu.memory_space<vmem_shared>>) target_semaphore(%run_scoped3A : memref<!tpu.dma_semaphore, #tpu.memory_space<semaphore_mem>>)
      %dma_wait3A = arith.constant 0 : i32
      %dma_wait3A_69 = tpu.memref_slice %arg11[%add3A_52, %dma_wait3A] : memref<10240x128xf32, #tpu.memory_space<vmem_shared>> -> memref<128x128xf32, #tpu.memory_space<vmem_shared>>
      %dma_wait3A_70 = arith.constant 0 : i32
      %dma_wait3A_71 = tpu.memref_slice %arg11[%add3A_52, %dma_wait3A_70] : memref<10240x128xf32, #tpu.memory_space<vmem_shared>> -> memref<128x128xf32, #tpu.memory_space<vmem_shared>>
      tpu.wait_dma2 semaphore(%run_scoped3A : memref<!tpu.dma_semaphore, #tpu.memory_space<semaphore_mem>>) src(%arg8 : memref<128x128xf32, #tpu.memory_space<vmem>>) dst(%dma_wait3A_71 : memref<128x128xf32, #tpu.memory_space<vmem_shared>>)
      tpu.yield
    }) : () -> ()
    %add3A_53 = arith.constant 512 : i32
    %add3A_54 = arith.addi %mul3A_45, %add3A_53 : i32
    "tpu.region"() ({
      %run_scoped3A = tpu.sem_alloc : memref<!tpu.dma_semaphore, #tpu.memory_space<semaphore_mem>>
      %dma_start3A = arith.constant 0 : i32
      %dma_start3A_66 = tpu.memref_slice %arg11[%add3A_54, %dma_start3A] : memref<10240x128xf32, #tpu.memory_space<vmem_shared>> -> memref<128x128xf32, #tpu.memory_space<vmem_shared>>
      %dma_start3A_67 = arith.constant 0 : i32
      %dma_start3A_68 = tpu.memref_slice %arg11[%add3A_54, %dma_start3A_67] : memref<10240x128xf32, #tpu.memory_space<vmem_shared>> -> memref<128x128xf32, #tpu.memory_space<vmem_shared>>
      tpu.enqueue_dma source(%arg8 : memref<128x128xf32, #tpu.memory_space<vmem>>) target(%dma_start3A_68 : memref<128x128xf32, #tpu.memory_space<vmem_shared>>) target_semaphore(%run_scoped3A : memref<!tpu.dma_semaphore, #tpu.memory_space<semaphore_mem>>)
      %dma_wait3A = arith.constant 0 : i32
      %dma_wait3A_69 = tpu.memref_slice %arg11[%add3A_54, %dma_wait3A] : memref<10240x128xf32, #tpu.memory_space<vmem_shared>> -> memref<128x128xf32, #tpu.memory_space<vmem_shared>>
      %dma_wait3A_70 = arith.constant 0 : i32
      %dma_wait3A_71 = tpu.memref_slice %arg11[%add3A_54, %dma_wait3A_70] : memref<10240x128xf32, #tpu.memory_space<vmem_shared>> -> memref<128x128xf32, #tpu.memory_space<vmem_shared>>
      tpu.wait_dma2 semaphore(%run_scoped3A : memref<!tpu.dma_semaphore, #tpu.memory_space<semaphore_mem>>) src(%arg8 : memref<128x128xf32, #tpu.memory_space<vmem>>) dst(%dma_wait3A_71 : memref<128x128xf32, #tpu.memory_space<vmem_shared>>)
      tpu.yield
    }) : () -> ()
    "tpu.region"() ({
      %run_scoped3A = tpu.sem_alloc : memref<!tpu.dma_semaphore, #tpu.memory_space<semaphore_mem>>
      %dma_start3A = tpu.memref_slice %arg12[%mul3A_45] : memref<10240xf32, #tpu.memory_space<vmem_shared>> -> memref<640xf32, #tpu.memory_space<vmem_shared>>
      %dma_start3A_66 = tpu.memref_slice %arg12[%mul3A_45] : memref<10240xf32, #tpu.memory_space<vmem_shared>> -> memref<640xf32, #tpu.memory_space<vmem_shared>>
      tpu.enqueue_dma source(%arg10 : memref<640xf32, #tpu.memory_space<vmem>>) target(%dma_start3A_66 : memref<640xf32, #tpu.memory_space<vmem_shared>>) target_semaphore(%run_scoped3A : memref<!tpu.dma_semaphore, #tpu.memory_space<semaphore_mem>>)
      %dma_wait3A = tpu.memref_slice %arg12[%mul3A_45] : memref<10240xf32, #tpu.memory_space<vmem_shared>> -> memref<640xf32, #tpu.memory_space<vmem_shared>>
      %dma_wait3A_67 = tpu.memref_slice %arg12[%mul3A_45] : memref<10240xf32, #tpu.memory_space<vmem_shared>> -> memref<640xf32, #tpu.memory_space<vmem_shared>>
      tpu.wait_dma2 semaphore(%run_scoped3A : memref<!tpu.dma_semaphore, #tpu.memory_space<semaphore_mem>>) src(%arg10 : memref<640xf32, #tpu.memory_space<vmem>>) dst(%dma_wait3A_67 : memref<640xf32, #tpu.memory_space<vmem_shared>>)
      tpu.yield
    }) : () -> ()
    %barrier3A = arith.constant 0 : index
    tpu.barrier barrier_id(%barrier3A)
    %mul3A_55 = arith.constant 157 : i32
    %mul3A_56 = arith.muli %arg1, %mul3A_55 : i32
    %mul3A_57 = arith.constant 128 : i32
    %mul3A_58 = arith.muli %mul3A_56, %mul3A_57 : i32
    %scan3A_59 = arith.constant 0 : i32
    %scan3A_60 = arith.constant 0 : i32
    %scan3A_61 = arith.constant 157 : i32
    %scan3A_62 = arith.addi %scan3A_60, %scan3A_61 : i32
    %scan3A_63 = arith.constant 1 : i32
    scf.for %scan3A_66 = %scan3A_60 to %scan3A_62 step %scan3A_63  : i32 {
      %mul3A_67 = arith.constant 128 : i32
      %mul3A_68 = arith.muli %scan3A_66, %mul3A_67 : i32
      %add3A_69 = arith.addi %mul3A_58, %mul3A_68 : i32
      "tpu.region"() ({
        %run_scoped3A = tpu.sem_alloc : memref<!tpu.dma_semaphore, #tpu.memory_space<semaphore_mem>>
        %dma_start3A = tpu.memref_slice %arg3[%arg0, %add3A_69] : memref<2x321536xi32, #tpu.memory_space<hbm>> -> memref<1x128xi32, #tpu.memory_space<hbm>>
        %dma_start3A_71 = tpu.memref_squeeze %dma_start3A : memref<1x128xi32, #tpu.memory_space<hbm>> -> memref<128xi32, #tpu.memory_space<hbm>>
        %dma_start3A_72 = tpu.memref_slice %arg3[%arg0, %add3A_69] : memref<2x321536xi32, #tpu.memory_space<hbm>> -> memref<1x128xi32, #tpu.memory_space<hbm>>
        %dma_start3A_73 = tpu.memref_squeeze %dma_start3A_72 : memref<1x128xi32, #tpu.memory_space<hbm>> -> memref<128xi32, #tpu.memory_space<hbm>>
        tpu.enqueue_dma source(%dma_start3A_73 : memref<128xi32, #tpu.memory_space<hbm>>) target(%arg6 : memref<128xi32, #tpu.memory_space<vmem>>) target_semaphore(%run_scoped3A : memref<!tpu.dma_semaphore, #tpu.memory_space<semaphore_mem>>)
        %dma_wait3A = tpu.memref_slice %arg3[%arg0, %add3A_69] : memref<2x321536xi32, #tpu.memory_space<hbm>> -> memref<1x128xi32, #tpu.memory_space<hbm>>
        %dma_wait3A_74 = tpu.memref_squeeze %dma_wait3A : memref<1x128xi32, #tpu.memory_space<hbm>> -> memref<128xi32, #tpu.memory_space<hbm>>
        %dma_wait3A_75 = tpu.memref_slice %arg3[%arg0, %add3A_69] : memref<2x321536xi32, #tpu.memory_space<hbm>> -> memref<1x128xi32, #tpu.memory_space<hbm>>
        %dma_wait3A_76 = tpu.memref_squeeze %dma_wait3A_75 : memref<1x128xi32, #tpu.memory_space<hbm>> -> memref<128xi32, #tpu.memory_space<hbm>>
        tpu.wait_dma2 semaphore(%run_scoped3A : memref<!tpu.dma_semaphore, #tpu.memory_space<semaphore_mem>>) src(%dma_wait3A_76 : memref<128xi32, #tpu.memory_space<hbm>>) dst(%arg6 : memref<128xi32, #tpu.memory_space<vmem>>)
        tpu.yield
      }) : () -> ()
      %sub3A = arith.constant 1 : i32
      %sub3A_70 = arith.subi %sub3A, %arg0 : i32
      "tpu.region"() ({
        %run_scoped3A = tpu.sem_alloc : memref<!tpu.dma_semaphore, #tpu.memory_space<semaphore_mem>>
        %dma_start3A = tpu.memref_slice %arg3[%sub3A_70, %add3A_69] : memref<2x321536xi32, #tpu.memory_space<hbm>> -> memref<1x128xi32, #tpu.memory_space<hbm>>
        %dma_start3A_71 = tpu.memref_squeeze %dma_start3A : memref<1x128xi32, #tpu.memory_space<hbm>> -> memref<128xi32, #tpu.memory_space<hbm>>
        %dma_start3A_72 = tpu.memref_slice %arg3[%sub3A_70, %add3A_69] : memref<2x321536xi32, #tpu.memory_space<hbm>> -> memref<1x128xi32, #tpu.memory_space<hbm>>
        %dma_start3A_73 = tpu.memref_squeeze %dma_start3A_72 : memref<1x128xi32, #tpu.memory_space<hbm>> -> memref<128xi32, #tpu.memory_space<hbm>>
        tpu.enqueue_dma source(%dma_start3A_73 : memref<128xi32, #tpu.memory_space<hbm>>) target(%arg7 : memref<128xi32, #tpu.memory_space<vmem>>) target_semaphore(%run_scoped3A : memref<!tpu.dma_semaphore, #tpu.memory_space<semaphore_mem>>)
        %dma_wait3A = tpu.memref_slice %arg3[%sub3A_70, %add3A_69] : memref<2x321536xi32, #tpu.memory_space<hbm>> -> memref<1x128xi32, #tpu.memory_space<hbm>>
        %dma_wait3A_74 = tpu.memref_squeeze %dma_wait3A : memref<1x128xi32, #tpu.memory_space<hbm>> -> memref<128xi32, #tpu.memory_space<hbm>>
        %dma_wait3A_75 = tpu.memref_slice %arg3[%sub3A_70, %add3A_69] : memref<2x321536xi32, #tpu.memory_space<hbm>> -> memref<1x128xi32, #tpu.memory_space<hbm>>
        %dma_wait3A_76 = tpu.memref_squeeze %dma_wait3A_75 : memref<1x128xi32, #tpu.memory_space<hbm>> -> memref<128xi32, #tpu.memory_space<hbm>>
        tpu.wait_dma2 semaphore(%run_scoped3A : memref<!tpu.dma_semaphore, #tpu.memory_space<semaphore_mem>>) src(%dma_wait3A_76 : memref<128xi32, #tpu.memory_space<hbm>>) dst(%arg7 : memref<128xi32, #tpu.memory_space<vmem>>)
        tpu.yield
      }) : () -> ()
      "tpu.region"() ({
        %run_scoped3A = tpu.sem_alloc : memref<!tpu.dma_semaphore, #tpu.memory_space<semaphore_mem>>
        %dma_start3A = arith.constant 0 : i32
        %dma_start3A_71 = arith.constant 0 : i32
        %dma_start3A_72 = tpu.memref_slice %arg2[%dma_start3A, %dma_start3A_71] : memref<10240x128xf32, #tpu.memory_space<hbm>> -> memref<10240x128xf32, #tpu.memory_space<hbm>>
        tpu.enqueue_indirect_dma source(%dma_start3A_72 : memref<10240x128xf32, #tpu.memory_space<hbm>>) target(%arg8 : memref<128x128xf32, #tpu.memory_space<vmem>>) offsets(%arg6 : memref<128xi32, #tpu.memory_space<vmem>>) semaphore(%run_scoped3A : memref<!tpu.dma_semaphore, #tpu.memory_space<semaphore_mem>>)
        %dma_wait3A = arith.constant 0 : i32
        %dma_wait3A_73 = arith.constant 0 : i32
        %dma_wait3A_74 = tpu.memref_slice %arg2[%dma_wait3A, %dma_wait3A_73] : memref<10240x128xf32, #tpu.memory_space<hbm>> -> memref<10240x128xf32, #tpu.memory_space<hbm>>
        tpu.wait_indirect_dma semaphore(%run_scoped3A : memref<!tpu.dma_semaphore, #tpu.memory_space<semaphore_mem>>) src(%dma_wait3A_74 : memref<10240x128xf32, #tpu.memory_space<hbm>>) dst(%arg8 : memref<128x128xf32, #tpu.memory_space<vmem>>)
        tpu.yield
      }) : () -> ()
      "tpu.region"() ({
        %run_scoped3A = tpu.sem_alloc : memref<!tpu.dma_semaphore, #tpu.memory_space<semaphore_mem>>
        %dma_start3A = arith.constant 0 : i32
        %dma_start3A_71 = arith.constant 0 : i32
        %dma_start3A_72 = tpu.memref_slice %arg11[%dma_start3A, %dma_start3A_71] : memref<10240x128xf32, #tpu.memory_space<vmem_shared>> -> memref<10240x128xf32, #tpu.memory_space<vmem_shared>>
        tpu.enqueue_indirect_dma source(%arg8 : memref<128x128xf32, #tpu.memory_space<vmem>>) target(%dma_start3A_72 : memref<10240x128xf32, #tpu.memory_space<vmem_shared>>) offsets(%arg7 : memref<128xi32, #tpu.memory_space<vmem>>) semaphore(%run_scoped3A : memref<!tpu.dma_semaphore, #tpu.memory_space<semaphore_mem>>) {add = true}
        %dma_wait3A = arith.constant 0 : i32
        %dma_wait3A_73 = arith.constant 0 : i32
        %dma_wait3A_74 = tpu.memref_slice %arg11[%dma_wait3A, %dma_wait3A_73] : memref<10240x128xf32, #tpu.memory_space<vmem_shared>> -> memref<10240x128xf32, #tpu.memory_space<vmem_shared>>
        tpu.wait_indirect_dma semaphore(%run_scoped3A : memref<!tpu.dma_semaphore, #tpu.memory_space<semaphore_mem>>) src(%arg8 : memref<128x128xf32, #tpu.memory_space<vmem>>) dst(%dma_wait3A_74 : memref<10240x128xf32, #tpu.memory_space<vmem_shared>>)
        tpu.yield
      }) : () -> ()
      "tpu.region"() ({
        %run_scoped3A = tpu.sem_alloc : memref<!tpu.dma_semaphore, #tpu.memory_space<semaphore_mem>>
        %dma_start3A = arith.constant 0 : i32
        %dma_start3A_71 = tpu.memref_slice %arg12[%dma_start3A] : memref<10240xf32, #tpu.memory_space<vmem_shared>> -> memref<10240xf32, #tpu.memory_space<vmem_shared>>
        tpu.enqueue_indirect_dma source(%arg9 : memref<128xf32, #tpu.memory_space<vmem>>) target(%dma_start3A_71 : memref<10240xf32, #tpu.memory_space<vmem_shared>>) offsets(%arg7 : memref<128xi32, #tpu.memory_space<vmem>>) semaphore(%run_scoped3A : memref<!tpu.dma_semaphore, #tpu.memory_space<semaphore_mem>>) {add = true}
        %dma_wait3A = arith.constant 0 : i32
        %dma_wait3A_72 = tpu.memref_slice %arg12[%dma_wait3A] : memref<10240xf32, #tpu.memory_space<vmem_shared>> -> memref<10240xf32, #tpu.memory_space<vmem_shared>>
        tpu.wait_indirect_dma semaphore(%run_scoped3A : memref<!tpu.dma_semaphore, #tpu.memory_space<semaphore_mem>>) src(%arg9 : memref<128xf32, #tpu.memory_space<vmem>>) dst(%dma_wait3A_72 : memref<10240xf32, #tpu.memory_space<vmem_shared>>)
        tpu.yield
      }) : () -> ()
    }
    %scan3A_64 = arith.constant 157 : i32
    %barrier3A_65 = arith.constant 0 : index
    tpu.barrier barrier_id(%barrier3A_65)
    "tpu.region"() ({
      %run_scoped3A = tpu.sem_alloc : memref<!tpu.dma_semaphore, #tpu.memory_space<semaphore_mem>>
      %dma_start3A = arith.constant 0 : i32
      %dma_start3A_66 = tpu.memref_slice %arg4[%arg0, %mul3A_45, %dma_start3A] : memref<2x10240x128xf32, #tpu.memory_space<hbm>> -> memref<1x640x128xf32, #tpu.memory_space<hbm>>
      %dma_start3A_67 = tpu.memref_squeeze %dma_start3A_66 : memref<1x640x128xf32, #tpu.memory_space<hbm>> -> memref<640x128xf32, #tpu.memory_space<hbm>>
      %dma_start3A_68 = arith.constant 0 : i32
      %dma_start3A_69 = tpu.memref_slice %arg11[%mul3A_45, %dma_start3A_68] : memref<10240x128xf32, #tpu.memory_space<vmem_shared>> -> memref<640x128xf32, #tpu.memory_space<vmem_shared>>
      tpu.enqueue_dma source(%dma_start3A_69 : memref<640x128xf32, #tpu.memory_space<vmem_shared>>) target(%dma_start3A_67 : memref<640x128xf32, #tpu.memory_space<hbm>>) target_semaphore(%run_scoped3A : memref<!tpu.dma_semaphore, #tpu.memory_space<semaphore_mem>>)
      %dma_wait3A = arith.constant 0 : i32
      %dma_wait3A_70 = tpu.memref_slice %arg4[%arg0, %mul3A_45, %dma_wait3A] : memref<2x10240x128xf32, #tpu.memory_space<hbm>> -> memref<1x640x128xf32, #tpu.memory_space<hbm>>
      %dma_wait3A_71 = tpu.memref_squeeze %dma_wait3A_70 : memref<1x640x128xf32, #tpu.memory_space<hbm>> -> memref<640x128xf32, #tpu.memory_space<hbm>>
      %dma_wait3A_72 = arith.constant 0 : i32
      %dma_wait3A_73 = tpu.memref_slice %arg11[%mul3A_45, %dma_wait3A_72] : memref<10240x128xf32, #tpu.memory_space<vmem_shared>> -> memref<640x128xf32, #tpu.memory_space<vmem_shared>>
      tpu.wait_dma2 semaphore(%run_scoped3A : memref<!tpu.dma_semaphore, #tpu.memory_space<semaphore_mem>>) src(%dma_wait3A_73 : memref<640x128xf32, #tpu.memory_space<vmem_shared>>) dst(%dma_wait3A_71 : memref<640x128xf32, #tpu.memory_space<hbm>>)
      tpu.yield
    }) : () -> ()
    "tpu.region"() ({
      %run_scoped3A = tpu.sem_alloc : memref<!tpu.dma_semaphore, #tpu.memory_space<semaphore_mem>>
      %dma_start3A = tpu.memref_slice %arg5[%arg0, %mul3A_45] : memref<2x10240xf32, #tpu.memory_space<hbm>> -> memref<1x640xf32, #tpu.memory_space<hbm>>
      %dma_start3A_66 = tpu.memref_squeeze %dma_start3A : memref<1x640xf32, #tpu.memory_space<hbm>> -> memref<640xf32, #tpu.memory_space<hbm>>
      %dma_start3A_67 = tpu.memref_slice %arg12[%mul3A_45] : memref<10240xf32, #tpu.memory_space<vmem_shared>> -> memref<640xf32, #tpu.memory_space<vmem_shared>>
      tpu.enqueue_dma source(%dma_start3A_67 : memref<640xf32, #tpu.memory_space<vmem_shared>>) target(%dma_start3A_66 : memref<640xf32, #tpu.memory_space<hbm>>) target_semaphore(%run_scoped3A : memref<!tpu.dma_semaphore, #tpu.memory_space<semaphore_mem>>)
      %dma_wait3A = tpu.memref_slice %arg5[%arg0, %mul3A_45] : memref<2x10240xf32, #tpu.memory_space<hbm>> -> memref<1x640xf32, #tpu.memory_space<hbm>>
      %dma_wait3A_68 = tpu.memref_squeeze %dma_wait3A : memref<1x640xf32, #tpu.memory_space<hbm>> -> memref<640xf32, #tpu.memory_space<hbm>>
      %dma_wait3A_69 = tpu.memref_slice %arg12[%mul3A_45] : memref<10240xf32, #tpu.memory_space<vmem_shared>> -> memref<640xf32, #tpu.memory_space<vmem_shared>>
      tpu.wait_dma2 semaphore(%run_scoped3A : memref<!tpu.dma_semaphore, #tpu.memory_space<semaphore_mem>>) src(%dma_wait3A_69 : memref<640xf32, #tpu.memory_space<vmem_shared>>) dst(%dma_wait3A_68 : memref<640xf32, #tpu.memory_space<hbm>>)
      tpu.yield
    }) : () -> ()
    return
  }
}

module attributes {stable_mosaic.version = 14 : i64} {
  func.func @body(%arg0: i32, %arg1: memref<2x1024x128xf32, #tpu.memory_space<vmem>>, %arg2: memref<2x1024x1xf32, #tpu.memory_space<vmem>>, %arg3: memref<1024x128xf32, #tpu.memory_space<vmem>>, %arg4: memref<128x128xf32, #tpu.memory_space<vmem>>, %arg5: memref<128x128xf32, #tpu.memory_space<vmem>>, %arg6: memref<128x128xf32, #tpu.memory_space<vmem>>, %arg7: memref<1x128xf32, #tpu.memory_space<vmem>>, %arg8: memref<1x128xf32, #tpu.memory_space<vmem>>, %arg9: memref<1024x128xf32, #tpu.memory_space<vmem>>) attributes {dimension_semantics = [#tpu.dimension_semantics<arbitrary>], iteration_bounds = array<i64: 10>, scalar_prefetch = 0 : i64, scratch_operands = 0 : i64, tpu.core_type = #tpu.core_type<tc>, window_params = [{transform_indices = @transform_0, window_bounds = array<i64: 2, 1024, 128>}, {transform_indices = @transform_1, window_bounds = array<i64: 2, 1024, 1>}, {transform_indices = @transform_2, window_bounds = array<i64: 1024, 128>}, {pipeline_mode = #tpu.pipeline_mode<synchronous>, transform_indices = @transform_3, window_bounds = array<i64: 128, 128>}, {pipeline_mode = #tpu.pipeline_mode<synchronous>, transform_indices = @transform_4, window_bounds = array<i64: 128, 128>}, {pipeline_mode = #tpu.pipeline_mode<synchronous>, transform_indices = @transform_5, window_bounds = array<i64: 128, 128>}, {pipeline_mode = #tpu.pipeline_mode<synchronous>, transform_indices = @transform_6, window_bounds = array<i64: 1, 128>}, {pipeline_mode = #tpu.pipeline_mode<synchronous>, transform_indices = @transform_7, window_bounds = array<i64: 1, 128>}, {transform_indices = @transform_8, window_bounds = array<i64: 1024, 128>}]} {
    %get3A = arith.constant 0 : index
    %get3A_0 = arith.constant 0 : index
    %get3A_1 = arith.constant 0 : index
    %get3A_2 = vector.load %arg1[%get3A, %get3A_0, %get3A_1] : memref<2x1024x128xf32, #tpu.memory_space<vmem>>, vector<1x1024x128xf32>
    %get3A_3 = vector.shape_cast %get3A_2 : vector<1x1024x128xf32> to vector<1024x128xf32>
    %get3A_4 = arith.constant 1 : index
    %get3A_5 = arith.constant 0 : index
    %get3A_6 = arith.constant 0 : index
    %get3A_7 = vector.load %arg1[%get3A_4, %get3A_5, %get3A_6] : memref<2x1024x128xf32, #tpu.memory_space<vmem>>, vector<1x1024x128xf32>
    %get3A_8 = vector.shape_cast %get3A_7 : vector<1x1024x128xf32> to vector<1024x128xf32>
    %get3A_9 = arith.constant 0 : index
    %get3A_10 = arith.constant 0 : index
    %get3A_11 = arith.constant 0 : index
    %get3A_12 = vector.load %arg2[%get3A_9, %get3A_10, %get3A_11] : memref<2x1024x1xf32, #tpu.memory_space<vmem>>, vector<1x1024x1xf32>
    %get3A_13 = vector.shape_cast %get3A_12 : vector<1x1024x1xf32> to vector<1024x1xf32>
    %get3A_14 = arith.constant 1 : index
    %get3A_15 = arith.constant 0 : index
    %get3A_16 = arith.constant 0 : index
    %get3A_17 = vector.load %arg2[%get3A_14, %get3A_15, %get3A_16] : memref<2x1024x1xf32, #tpu.memory_space<vmem>>, vector<1x1024x1xf32>
    %get3A_18 = vector.shape_cast %get3A_17 : vector<1x1024x1xf32> to vector<1024x1xf32>
    %get3A_19 = arith.constant 0 : index
    %get3A_20 = arith.constant 0 : index
    %get3A_21 = vector.load %arg3[%get3A_19, %get3A_20] : memref<1024x128xf32, #tpu.memory_space<vmem>>, vector<1024x128xf32>
    %max3A = arith.constant 1.000000e+00 : f32
    %max3A_22 = vector.broadcast %max3A : f32 to vector<1024x1xf32>
    %max3A_23 = arith.maximumf %get3A_13, %max3A_22 : vector<1024x1xf32>
    %div3A = vector.broadcast %max3A_23 : vector<1024x1xf32> to vector<1024x128xf32>
    %div3A_24 = arith.divf %get3A_3, %div3A : vector<1024x128xf32>
    %get3A_25 = arith.constant 0 : index
    %get3A_26 = arith.constant 0 : index
    %get3A_27 = vector.load %arg4[%get3A_25, %get3A_26] : memref<128x128xf32, #tpu.memory_space<vmem>>, vector<128x128xf32>
    %dot_general3A = arith.constant dense<0.000000e+00> : vector<1024x128xf32>
    %dot_general3A_28 = tpu.matmul %div3A_24, %get3A_27, %dot_general3A {dimension_numbers = #tpu.dot_dimension_numbers<[1], [0], [0], [1], [0, 0, 1, 1], [], []>, precision = #tpu.contract_precision<fp32>, transpose_lhs_hint = false} : vector<1024x128xf32>, vector<128x128xf32>, vector<1024x128xf32> -> vector<1024x128xf32>
    %get3A_29 = arith.constant 0 : index
    %get3A_30 = arith.constant 0 : index
    %get3A_31 = vector.load %arg5[%get3A_29, %get3A_30] : memref<128x128xf32, #tpu.memory_space<vmem>>, vector<128x128xf32>
    %dot_general3A_32 = arith.constant dense<0.000000e+00> : vector<1024x128xf32>
    %dot_general3A_33 = tpu.matmul %get3A_21, %get3A_31, %dot_general3A_32 {dimension_numbers = #tpu.dot_dimension_numbers<[1], [0], [0], [1], [0, 0, 1, 1], [], []>, precision = #tpu.contract_precision<fp32>, transpose_lhs_hint = false} : vector<1024x128xf32>, vector<128x128xf32>, vector<1024x128xf32> -> vector<1024x128xf32>
    %add3A = arith.addf %dot_general3A_28, %dot_general3A_33 : vector<1024x128xf32>
    %get3A_34 = arith.constant 0 : index
    %get3A_35 = arith.constant 0 : index
    %get3A_36 = vector.load %arg7[%get3A_34, %get3A_35] : memref<1x128xf32, #tpu.memory_space<vmem>>, vector<1x128xf32>
    %add3A_37 = vector.broadcast %get3A_36 : vector<1x128xf32> to vector<1024x128xf32>
    %add3A_38 = arith.addf %add3A, %add3A_37 : vector<1024x128xf32>
    %max3A_39 = arith.constant 0.000000e+00 : f32
    %max3A_40 = vector.broadcast %max3A_39 : f32 to vector<1024x128xf32>
    %max3A_41 = arith.maximumf %add3A_38, %max3A_40 : vector<1024x128xf32>
    %mul3A = vector.broadcast %get3A_18 : vector<1024x1xf32> to vector<1024x128xf32>
    %mul3A_42 = arith.mulf %mul3A, %get3A_21 : vector<1024x128xf32>
    %sub3A = arith.subf %get3A_8, %mul3A_42 : vector<1024x128xf32>
    %get3A_43 = arith.constant 0 : index
    %get3A_44 = arith.constant 0 : index
    %get3A_45 = vector.load %arg6[%get3A_43, %get3A_44] : memref<128x128xf32, #tpu.memory_space<vmem>>, vector<128x128xf32>
    %dot_general3A_46 = arith.constant dense<0.000000e+00> : vector<1024x128xf32>
    %dot_general3A_47 = tpu.matmul %sub3A, %get3A_45, %dot_general3A_46 {dimension_numbers = #tpu.dot_dimension_numbers<[1], [0], [0], [1], [0, 0, 1, 1], [], []>, precision = #tpu.contract_precision<fp32>, transpose_lhs_hint = false} : vector<1024x128xf32>, vector<128x128xf32>, vector<1024x128xf32> -> vector<1024x128xf32>
    %add3A_48 = arith.addf %max3A_41, %dot_general3A_47 : vector<1024x128xf32>
    %get3A_49 = arith.constant 0 : index
    %get3A_50 = arith.constant 0 : index
    %get3A_51 = vector.load %arg8[%get3A_49, %get3A_50] : memref<1x128xf32, #tpu.memory_space<vmem>>, vector<1x128xf32>
    %mul3A_52 = vector.broadcast %get3A_18 : vector<1024x1xf32> to vector<1024x128xf32>
    %mul3A_53 = vector.broadcast %get3A_51 : vector<1x128xf32> to vector<1024x128xf32>
    %mul3A_54 = arith.mulf %mul3A_52, %mul3A_53 : vector<1024x128xf32>
    %add3A_55 = arith.addf %add3A_48, %mul3A_54 : vector<1024x128xf32>
    %swap3A = arith.constant 0 : index
    %swap3A_56 = arith.constant 0 : index
    %swap3A_57 = vector.load %arg9[%swap3A, %swap3A_56] : memref<1024x128xf32, #tpu.memory_space<vmem>>, vector<1024x128xf32>
    tpu.vector_store %arg9[%swap3A, %swap3A_56], %add3A_55 {strides = array<i32>} : memref<1024x128xf32, #tpu.memory_space<vmem>>, vector<1024x128xf32>,
    return
  }
  func.func @transform_0(%arg0: i32) -> (i32, i32, i32) {
    %c0_i32 = arith.constant 0 : i32
    %c0_i32_0 = arith.constant 0 : i32
    %c0_i32_1 = arith.constant 0 : i32
    return %c0_i32, %arg0, %c0_i32_0 : i32, i32, i32
  }
  func.func @transform_1(%arg0: i32) -> (i32, i32, i32) {
    %c0_i32 = arith.constant 0 : i32
    %c0_i32_0 = arith.constant 0 : i32
    %c0_i32_1 = arith.constant 0 : i32
    return %c0_i32, %arg0, %c0_i32_0 : i32, i32, i32
  }
  func.func @transform_2(%arg0: i32) -> (i32, i32) {
    %c0_i32 = arith.constant 0 : i32
    %c0_i32_0 = arith.constant 0 : i32
    return %arg0, %c0_i32 : i32, i32
  }
  func.func @transform_3(%arg0: i32) -> (i32, i32) {
    %c0_i32 = arith.constant 0 : i32
    %c0_i32_0 = arith.constant 0 : i32
    %c0_i32_1 = arith.constant 0 : i32
    return %c0_i32, %c0_i32_0 : i32, i32
  }
  func.func @transform_4(%arg0: i32) -> (i32, i32) {
    %c0_i32 = arith.constant 0 : i32
    %c0_i32_0 = arith.constant 0 : i32
    %c0_i32_1 = arith.constant 0 : i32
    return %c0_i32, %c0_i32_0 : i32, i32
  }
  func.func @transform_5(%arg0: i32) -> (i32, i32) {
    %c0_i32 = arith.constant 0 : i32
    %c0_i32_0 = arith.constant 0 : i32
    %c0_i32_1 = arith.constant 0 : i32
    return %c0_i32, %c0_i32_0 : i32, i32
  }
  func.func @transform_6(%arg0: i32) -> (i32, i32) {
    %c0_i32 = arith.constant 0 : i32
    %c0_i32_0 = arith.constant 0 : i32
    %c0_i32_1 = arith.constant 0 : i32
    return %c0_i32, %c0_i32_0 : i32, i32
  }
  func.func @transform_7(%arg0: i32) -> (i32, i32) {
    %c0_i32 = arith.constant 0 : i32
    %c0_i32_0 = arith.constant 0 : i32
    %c0_i32_1 = arith.constant 0 : i32
    return %c0_i32, %c0_i32_0 : i32, i32
  }
  func.func @transform_8(%arg0: i32) -> (i32, i32) {
    %c0_i32 = arith.constant 0 : i32
    %c0_i32_0 = arith.constant 0 : i32
    return %arg0, %c0_i32 : i32, i32
  }
}

</mosaic_0001>

<sc_bundles>
// kernel: kernel.4.cloned.1.call-start
scs
__scs_entry_jumppad:
0x0: {  	(pc) =	sbr.rel $0x88, $3  }
0x1: {  	(tag) =	ssettag $0x0;
	lr =	simm.s32 $0x1  }
0x2: {  	[smem:$0x3F9A] =	sst lr;
	_ =	strace $0xD0000000  }
0x3: {  	_ = 	snop  }
0x4: {  	_ = 	snop  }
0x5: {  	_ = 	snop  }
0x6: {  	_ = 	snop  }
0x7: {  	_ = 	snop  }
__scs_overlays_trampoline_lowered:
0x8: {  	[smem:$0x3FA9] =	sst s0  }
0x9: {  	[smem:$0x3FAA] =	sst s1  }
0xa: {  	[smem:$0x3FAB] =	sst s2  }
0xb: {  	[smem:$0x3FAC] =	sst s3  }
0xc: {  	[smem:$0x3FAD] =	sst s4  }
0xd: {  	[smem:$0x3FAE] =	sst s5  }
0xe: {  	[smem:$0x3FAF] =	sst s6  }
0xf: {  	[smem:$0x3FB0] =	sst s7  }
0x10: {  	[smem:$0x3FB1] =	sst s8  }
0x11: {  	[smem:$0x3FB2] =	sst s9;
	s0 =	simm.s32 @!p0 $0x0  }
0x12: {  	s1 =	sld [smem:$0x3F98];
	s0 =	simm.s32 @p0 $0x1  }
0x13: {  	[smem:$0x3FB3] =	sst s0;
	s0 =	simm.s32 @!p1 $0x0  }
0x14: {  	s2 =	sld [smem:$0x3F97];
	s0 =	simm.s32 @p1 $0x1  }
0x15: {  	[smem:$0x3FB4] =	sst s0;
	s0 =	simm.s32 @!p2 $0x0  }
0x16: {  	s3 =	sld [smem:$0x3FDB];
	s0 =	simm.s32 @p2 $0x1  }
0x17: {  	s4 =	simm.s32 $0x1BF5;
	[smem:$0x3FB6] =	sst s0  }
0x18: {  	s0 =	sld [smem:$0x3F99];
	_ =	swait.ge [sflag:s4], $0x0  }
0x19: {  	s7 =	sld [smem:$0x3F9A]  }
0x1a: {  	s8 =	sadd.s32 $0xFFFFE003, lr  }
0x1b: {  	s9 =	sadd.s32 $0xFFFFFEF7, lr;
	s5 =	simm.s32 $0xFFFFFFFF;
	p2 =	slt.u32 s8, $0xFFFFF086  }
0x1c: {  	p1 =	slt.u32 s9, $0xF7A;
	s5 =	simm.s32 @!p2 $0x0  }
0x1d: {  	s5 =	simm.s32 @p1 $0x1;
	p0 =	seq.s32 s7, s2  }
0x1e: {  	s7 =	smul.u32 @!p0 $0xF7A, s2;
	p2 =	seq.s32 @!p0 s5, $0x0  }
0x1f: {  	s9 =	smul.u32 $0xF7A, s1;
	s8 =	simm.s32 @!p0 $0x1BF5;
	p2 =	por !p2, p0  }
0x20: {  	[sflag:s8] =	ssyncset.s32 @!p0 $0xFFFFF086;
	s6 =	sadd.s32 @!p0 s3, s7;
	s7 =	simm.s32 @!p0 $0x108  }
0x21: {  	s3 =	sadd.s32 s3, s9;
	s6 =	sadd.s32 @!p0 $0x88, s6;
	s7 =	simm.s32 @p2 $0x1082  }
0x22: {  	[simem:s7], [sflag:s8] =	dma.local @!p0 [hbm:s6], $0xF7A  }
0x23: {  	s9 =	sor.u32 $0xD0000000, s2;
	s6 =	simm.s32 $0x108;
	_ =	swait.ge @!p0 [sflag:s8], $0x0  }
0x24: {  	s3 =	sadd.s32 $0x88, s3;
	s6 =	simm.s32 @!p1 $0x1082;
	[sflag:s4] =	ssyncset.s32 $0xFFFFF086  }
0x25: {  	[simem:s6], [sflag:s4] =	dma.local [hbm:s3], $0xF7A  }
0x26: {  	[smem:$0x3F9A] =	sst s1;
	(tag) =	ssettag s2;
	_ =	strace s9  }
0x27: {  	s1 =	sld [smem:$0x3FAA]  }
0x28: {  	s2 =	sld [smem:$0x3FAB]  }
0x29: {  	s4 =	sld [smem:$0x3FAD]  }
0x2a: {  	p0 =	seq.s32 s5, $0x0;
	s5 =	sld [smem:$0x3FAE]  }
0x2b: {  	s6 =	sld [smem:$0x3FAF]  }
0x2c: {  	s7 =	sld [smem:$0x3FB0]  }
0x2d: {  	s3 =	simm.s32 $0x108;
	s8 =	sld [smem:$0x3FB1]  }
0x2e: {  	s3 =	simm.s32 @!p0 $0x1082;
	s9 =	sld [smem:$0x3FB2]  }
0x2f: {  	lr =	sadd.s32 s0, s3;
	s0 =	sld [smem:$0x3FA9]  }
0x30: {  	s3 =	sld [smem:$0x3FAC]  }
0x31: {  	[smem:$0x3FB5] =	sst s10  }
0x32: {  	s10 =	sld [smem:$0x3FB3];
	_ =	sdelay $0x3  }
0x33: {  	p0 =	seq.s32 s10, $0x1;
	s10 =	sld [smem:$0x3FB5];
	_ =	sdelay $0x3  }
0x34: {  	[smem:$0x3FB5] =	sst s10  }
0x35: {  	s10 =	sld [smem:$0x3FB4];
	_ =	sdelay $0x3  }
0x36: {  	p1 =	seq.s32 s10, $0x1;
	s10 =	sld [smem:$0x3FB5];
	_ =	sdelay $0x3  }
0x37: {  	[smem:$0x3FB5] =	sst s10  }
0x38: {  	s10 =	sld [smem:$0x3FB6]  }
0x39: {  	_ = 	snop;
	(pc) =	sbr.ind lr, $3  }
0x3a: {  	_ = 	snop  }
0x3b: {  	_ = 	snop  }
0x3c: {  	p2 =	seq.s32 s10, $0x1;
	s10 =	sld [smem:$0x3FB5]  }
0x3d: {  	_ =	shalt  }
0x3e: {  	_ =	shalt  }
0x3f: {  	_ =	shalt  }
0x40: {  	_ =	shalt  }
0x41: {  	_ =	shalt  }
0x42: {  	_ =	shalt  }
0x43: {  	_ =	shalt  }
0x44: {  	_ =	shalt  }
0x45: {  	_ =	shalt  }
0x46: {  	_ =	shalt  }
0x47: {  	_ =	shalt  }
0x48: {  	_ =	shalt  }
0x49: {  	_ =	shalt  }
0x4a: {  	_ =	shalt  }
0x4b: {  	_ =	shalt  }
0x4c: {  	_ =	shalt  }
0x4d: {  	_ =	shalt  }
0x4e: {  	_ =	shalt  }
0x4f: {  	_ =	shalt  }
0x50: {  	_ =	shalt  }
0x51: {  	_ =	shalt  }
0x52: {  	_ =	shalt  }
0x53: {  	_ =	shalt  }
0x54: {  	_ =	shalt  }
0x55: {  	_ =	shalt  }
0x56: {  	_ =	shalt  }
0x57: {  	_ =	shalt  }
0x58: {  	_ =	shalt  }
0x59: {  	_ =	shalt  }
0x5a: {  	_ =	shalt  }
0x5b: {  	_ =	shalt  }
0x5c: {  	_ =	shalt  }
0x5d: {  	_ =	shalt  }
0x5e: {  	_ =	shalt  }
0x5f: {  	_ =	shalt  }
0x60: {  	_ =	shalt  }
0x61: {  	_ =	shalt  }
0x62: {  	_ =	shalt  }
0x63: {  	_ =	shalt  }
0x64: {  	_ =	shalt  }
0x65: {  	_ =	shalt  }
0x66: {  	_ =	shalt  }
0x67: {  	_ =	shalt  }
0x68: {  	_ =	shalt  }
0x69: {  	_ =	shalt  }
0x6a: {  	_ =	shalt  }
0x6b: {  	_ =	shalt  }
0x6c: {  	_ =	shalt  }
0x6d: {  	_ =	shalt  }
0x6e: {  	_ =	shalt  }
0x6f: {  	_ =	shalt  }
0x70: {  	_ =	shalt  }
0x71: {  	_ =	shalt  }
0x72: {  	_ =	shalt  }
0x73: {  	_ =	shalt  }
0x74: {  	_ =	shalt  }
0x75: {  	_ =	shalt  }
0x76: {  	_ =	shalt  }
0x77: {  	_ =	shalt  }
0x78: {  	_ =	shalt  }
0x79: {  	_ =	shalt  }
0x7a: {  	_ =	shalt  }
0x7b: {  	_ =	shalt  }
0x7c: {  	_ =	shalt  }
0x7d: {  	_ =	shalt  }
0x7e: {  	_ =	shalt  }
0x7f: {  	_ =	shalt  }
0x80: {  	_ =	shalt  }
0x81: {  	_ =	shalt  }
0x82: {  	_ =	shalt  }
0x83: {  	_ =	shalt  }
0x84: {  	_ =	shalt  }
0x85: {  	_ =	shalt  }
0x86: {  	_ =	shalt  }
0x87: {  	_ =	shalt  }
.Lfunc_end0:
.L_simem_size_0:
called_computation_lowered:
.L_overlay_start_0:
0x88: {  	s2 =	sld [smem:$0x3FD9]  }
0x89: {  	s3 =	sld [smem:$0x3FFE];
	_ =	sdelay $0x1  }
0x8a: {  	s1 =	srdreg.scid  }
0x8b: {  	s0 =	sand.u32 $0x1, s1  }
0x8c: {  	s17 =	sshll.u32 s0, $0xA;
	s2 =	sadd.s32 s3, s2  }
0x8d: {  	s2 =	sadd.s32 s2, s17  }
0x8e: {  	[smem:$0x3FC1] =	sst s2  }
0x8f: {  	_ = 	snop  }
0x90: {  	s2 =	sld [smem:$0x3FD0];
	(tm) =	ssettm $0x1  }
0x91: {  	s18 =	sld [smem:$0x3FFB];
	_ =	sdelay $0x3  }
0x92: {  	_ =	strace s18  }
0x93: {  	s3 =	sld [smem:$0x3FFC];
	_ =	sdelay $0x3  }
0x94: {  	_ =	strace s3  }
0x95: {  	s3 =	sld [smem:$0x3FFD];
	_ =	sdelay $0x3  }
0x96: {  	_ =	strace s3  }
0x97: {  	_ =	strace $0x8FFFFFFF  }
0x98: {  	s19 =	sld [smem:$0x3FDB];
	_ =	sdelay $0x1  }
0x99: {  	s4 =	simm.s32 $_scs_section_size  }
0x9a: {  	s5 =	simm.s32 $_size__tile_overlayer_lowered;
	s6 =	simm.s32 $_tile_overlayer_lowered  }
0x9b: {  	s22 =	simm.s32 $0x1BFF;
	s21 =	sshll.u32 s6, $0x1;
	s3 =	sadd.s32 s4, s19  }
0x9c: {  	s7 =	simm.s32 $0x0;
	s20 =	sshll.u32 s5, $0x1;
	s5 =	sadd.s32 s21, s3  }
0x9d: {  	[timem:s7], [sflag:s22] =	dma.local [hbm:s5], s20  }
0x9e: {  	_ =	swait.ge [sflag:s22], s20  }
0x9f: {  	s4 =	ssub.s32 $0x0, s20;
	[sflag:s22] =	ssyncset.done $0x0  }
0xa0: {  	[sflag:s22] =	ssyncadd.s32 s4;
	_ =	sdelay $0x1  }
0xa1: {  	s23 =	simm.s32 $0x1B8B  }
0xa2: {  	_ =	swait.ge [sflag:s23], $0x1  }
0xa3: {  	[sflag:s23] =	ssyncset.done $0x0  }
0xa4: {  	s25 =	simm.s32 $0x1B8E;
	s24 =	sld [smem:$0x3FFE];
	[sflag:s23] =	ssyncadd.s32 $0xFFFFFFFF  }
0xa5: {  	s26 =	simm.s32 $execute0_lowered;
	[smem:$0x3FD2] =	sst s25  }
0xa6: {  	s5 =	sshll.u32 s26, $0x1;
	_ =	strace $0x80000046;
	[dreg:$0x1] =	wrdreg $0xFFFFFFFF  }
0xa7: {  	s28 =	simm.s32 $_size_execute0_lowered;
	s3 =	sadd.s32 s3, s5;
	[dreg:$0x0] =	wrdreg $0x0  }
0xa8: {  	s5 =	sshll.u32 s28, $0x1;
	[dreg:$0x2] =	wrdreg s3  }
0xa9: {  	[dreg:$0x3] =	wrdreg s5  }
0xaa: {  	[dreg:$0x4] =	wrdreg $0xC0  }
0xab: {  	_ =	task [dreg:s7], $0x5FFFF  }
0xac: {  	[dreg:$0x1] =	wrdreg $0xFFFFFFFF  }
0xad: {  	[dreg:$0x0] =	wrdreg $0x60  }
0xae: {  	[dreg:$0x2] =	wrdreg s24  }
0xaf: {  	[dreg:$0x3] =	wrdreg s2  }
0xb0: {  	[dreg:$0x4] =	wrdreg $0x44000  }
0xb1: {  	[dreg:$0x5] =	wrdreg $0x184000  }
0xb2: {  	[dreg:$0x6] =	wrdreg $0x9  }
0xb3: {  	_ =	task.clear_ibuf [dreg:s7], $0x7FFFF;
	_ =	strace $0x90000046  }
0xb4: {  	s29 =	simm.s32 $0x9;
	_ =	strace $0x80000048  }
0xb5: {  	_ =	swait.ge [sflag:s29], $0x1  }
0xb6: {  	[sflag:s29] =	ssyncadd.s32 $0xFFFFFFFF  }
0xb7: {  	_ =	strace $0x90000048  }
0xb8: {  	_ =	sfence  }
0xb9: {  	s30 =	sld [smem:$0x0];
	_ =	sdelay $0x2  }
0xba: {  	s31 =	sshll.u32 s1, $0xD;
	s1 =	sshrl.u32 s1, $0x2  }
0xbb: {  	s3 =	sand.u32 $0x4000, s31;
	s1 =	sadd.s32 s1, s30  }
0xbc: {  	s0 =	sor.u32 s3, s0;
	s1 =	sshll.u32 s1, $0x11  }
0xbd: {  	s0 =	sor.u32 s1, s0  }
0xbe: {  	s0 =	sadd.s32 $0x8F2B, s0  }
0xbf: {  	[sflag:s0] =	ssyncadd.remote.s32 $0x1  }
0xc0: {  	_ =	sfence.sel $0xFFFF  }
0xc1: {  	[dreg:$0x0] =	wrdreg $0xFFFFFFFF;
	(pc) =	sbr.abs _section_cstart, $3  }
0xc2: {  	[dreg:$0x1] =	wrdreg $0xFFFFFFFF  }
0xc3: {  	_ =	task.clear_ibuf [dreg:s7], $0x2FFFF;
	_ =	strace $0x9FFFFFFF  }
0xc4: {  	(tm) =	ssettm $0x7FFFFFFF  }
0xc5: {  	_ =	shalt  }
tec
execute0_lowered:
.L_overlay_start_1:
0x0: {  	(tag) =	ssettag $0x1  }
0x1: {  	s8 =	rddreg [dreg:$0x0]  }
0x2: {  	s0 =	rddreg [dreg:$0x1]  }
0x3: {  	s3 =	rddreg [dreg:$0x2];
	s1 =	srdreg.scid  }
0x4: {  	s4 =	rddreg [dreg:$0x3];
	s2 =	stileid.u32  }
0x5: {  	s5 =	simm.s32 $0x0;
	s20 =	simm.s32 $0x4180;
	s7 =	smul.u32 $0x14000, s2  }
0x6: {  	s21 =	simm.s32 $0x80;
	s22 =	simm.s32 $0x4100;
	s26 =	smul.u32 $0x500, s2  }
0x7: {  	s23 =	simm.s32 $0x20;
	s24 =	simm.s32 $0x10;
	s11 =	smul.u32 $0x50000, s2  }
0x8: {  	s13 =	sand.u32 $0x1, s1;
	s1 =	rddreg [dreg:$0x4];
	s12 =	smul.u32 $0xA00, s2  }
0x9: {  	s25 =	simm.s32 $0x0;
	[smem:$0x7FF] =	sst s5;
	s17 =	smul.u32 $0x13A0, s2  }
0xa: {  	s6 =	smul.u32 $0x140000, s13;
	_ =	strace $0x80000047;
	s10 =	sshll.u32 s13, $0x7  }
0xb: {  	s29 =	ssub.s32 $0x2, s13;
	s18 =	sshll.u32 s13, $0x4;
	s30 =	sshrl.u32 s11, $0x2  }
0xc: {  	s31 =	sshrl.u32 s29, $0x1;
	s12 =	sshrl.u32 s12, $0x2;
	s19 =	sadd.s32 s17, s0  }
0xd: {  	s17 =	sor.u32 s18, s17;
	s6 =	sadd.s32 s7, s6;
	s7 =	sor.u32 s10, s26  }
0xe: {  	s16 =	ssub.s32 s29, s31;
	s12 =	sadd.s32 s12, s4;
	s9 =	sshrl.u32 s6, $0x3  }
0xf: {  	s6 =	sadd.s32 $0x1E00, s8;
	s28 =	sshrl.u32 s7, $0x3;
	s7 =	sadd.s32 s30, s3  }
0x10: {  	s14 =	sadd.s32 s9, s8;
	s15 =	sadd.s32 s28, s8;
	s8 =	sadd.s32 $0x4000, s7  }
0x11: {  	s9 =	sadd.s32 $0x8000, s7;
	s10 =	sadd.s32 $0xC000, s7;
	s11 =	sadd.s32 $0x10000, s7  }
0x12: {  	s13 =	sadd.s32 $0x2A800, s14;
	s14 =	sadd.s32 $0x29E00, s15;
	s15 =	smax.u32 s16, $0x1  }
0x13: {  	v0 =	vimm.f32 $0.0e+00;
	v1 =	vimm.f32 $1.000000000e+00;
	s16 =	sadd.s32 s18, s19;
	s18 =	simm.s32 $0x100;
	s19 =	simm.s32 $0x1  }
.LBB2_1:
0x14: {  	s26 =	simm.s32 $0x0;
	s28 =	simm.s32 $0x200  }
.LBB2_2:
0x15: {  	p0 =	sne.s32 s28, $0xFE00;
	[tilespmem:s26+$0x170] =	vst v0  }
0x16: {  	[tilespmem:s26+$0x100] =	vst v0  }
0x17: {  	[tilespmem:s26+$0x110] =	vst v0  }
.Ltmp0:
0x18: {  	[tilespmem:s26+$0x120] =	vst v0;
	(pc) =	sbr.rel @p0 .LBB2_2-.Ltmp0, $4  }
0x19: {  	[tilespmem:s26+$0x130] =	vst v0  }
0x1a: {  	[tilespmem:s26+$0x140] =	vst v0  }
0x1b: {  	[tilespmem:s26+$0x150] =	vst v0  }
0x1c: {  	[tilespmem:s26+$0x160] =	vst v0;
	s26 =	sshra.s32 s28, $0x2;
	s28 =	sadd.s32 $0x200, s28  }
0x1d: {  	[tilespmem:s26+$0x170] =	vst v0  }
0x1e: {  	[tilespmem:s26+$0x100] =	vst v0  }
0x1f: {  	[tilespmem:s26+$0x110] =	vst v0  }
0x20: {  	[tilespmem:s26+$0x120] =	vst v0  }
0x21: {  	[tilespmem:s26+$0x130] =	vst v0  }
0x22: {  	[tilespmem:s26+$0x140] =	vst v0  }
0x23: {  	[tilespmem:s26+$0x150] =	vst v0  }
0x24: {  	[tilespmem:s26+$0x160] =	vst v0  }
0x25: {  	[tilespmem:$0x4100] =	vst v1  }
0x26: {  	[tilespmem:$0x4110] =	vst v1  }
0x27: {  	[tilespmem:$0x4120] =	vst v1  }
0x28: {  	[tilespmem:$0x4130] =	vst v1  }
0x29: {  	[tilespmem:$0x4140] =	vst v1  }
0x2a: {  	[tilespmem:$0x4150] =	vst v1  }
0x2b: {  	[tilespmem:$0x4160] =	vst v1  }
0x2c: {  	[tilespmem:$0x4170] =	vst v1  }
0x2d: {  	[tilespmem:$0x4180] =	vst v0  }
0x2e: {  	[tilespmem:$0x4190] =	vst v0  }
0x2f: {  	[tilespmem:$0x41A0] =	vst v0  }
0x30: {  	[tilespmem:$0x41B0] =	vst v0  }
0x31: {  	[tilespmem:$0x41C0] =	vst v0  }
0x32: {  	[tilespmem:$0x41D0] =	vst v0  }
0x33: {  	[tilespmem:$0x41E0] =	vst v0  }
0x34: {  	[tilespmem:$0x41F0] =	vst v0  }
0x35: {  	[tilespmem:$0x4200] =	vst v0  }
0x36: {  	[tilespmem:$0x4210] =	vst v0  }
0x37: {  	[tilespmem:$0x4220] =	vst v0  }
0x38: {  	[tilespmem:$0x4230] =	vst v0  }
0x39: {  	[tilespmem:$0x4240] =	vst v0  }
0x3a: {  	[tilespmem:$0x4250] =	vst v0  }
0x3b: {  	[tilespmem:$0x4260] =	vst v0  }
0x3c: {  	[tilespmem:$0x4270] =	vst v0  }
0x3d: {  	[tilespmem:$0x4280] =	vst v0  }
0x3e: {  	[tilespmem:$0x4290] =	vst v0  }
0x3f: {  	[tilespmem:$0x42A0] =	vst v0  }
0x40: {  	[tilespmem:$0x42B0] =	vst v0  }
0x41: {  	[tilespmem:$0x42C0] =	vst v0  }
0x42: {  	[tilespmem:$0x42D0] =	vst v0  }
0x43: {  	[tilespmem:$0x42E0] =	vst v0  }
0x44: {  	[tilespmem:$0x42F0] =	vst v0  }
0x45: {  	[tilespmem:$0x4300] =	vst v0  }
0x46: {  	[tilespmem:$0x4310] =	vst v0  }
0x47: {  	[tilespmem:$0x4320] =	vst v0  }
0x48: {  	[tilespmem:$0x4330] =	vst v0  }
0x49: {  	[tilespmem:$0x4340] =	vst v0  }
0x4a: {  	[tilespmem:$0x4350] =	vst v0  }
0x4b: {  	[tilespmem:$0x4360] =	vst v0  }
0x4c: {  	[tilespmem:$0x4370] =	vst v0  }
0x4d: {  	[tilespmem:$0x4380] =	vst v0  }
0x4e: {  	[tilespmem:$0x4390] =	vst v0  }
0x4f: {  	[tilespmem:$0x43A0] =	vst v0  }
0x50: {  	[tilespmem:$0x43B0] =	vst v0  }
0x51: {  	[tilespmem:$0x43C0] =	vst v0  }
0x52: {  	[tilespmem:$0x43D0] =	vst v0  }
0x53: {  	[tilespmem:$0x43E0] =	vst v0  }
0x54: {  	[tilespmem:$0x43F0] =	vst v0  }
0x55: {  	[spmem:s7] =	stream.linear.scatter [tilespmem:s18], [sflag:$0x1], $0x4000, $0x38;
	[tilespmem:$0x18680] =	vst v63  }
0x56: {  	_ =	swait.ge [sflag:s19], $0x4000  }
0x57: {  	[sflag:s19] =	ssyncset.done $0x0  }
0x58: {  	[sflag:s19] =	ssyncadd.s32 $0xFFFFC000  }
0x59: {  	[spmem:s8] =	stream.linear.scatter [tilespmem:s18], [sflag:$0x1], $0x4000, $0x38;
	[tilespmem:$0x18680] =	vst v63  }
0x5a: {  	_ =	swait.ge [sflag:s19], $0x4000  }
0x5b: {  	[sflag:s19] =	ssyncset.done $0x0  }
0x5c: {  	[sflag:s19] =	ssyncadd.s32 $0xFFFFC000  }
0x5d: {  	[spmem:s9] =	stream.linear.scatter [tilespmem:s18], [sflag:$0x1], $0x4000, $0x38;
	[tilespmem:$0x18680] =	vst v63  }
0x5e: {  	_ =	swait.ge [sflag:s19], $0x4000  }
0x5f: {  	[sflag:s19] =	ssyncset.done $0x0  }
0x60: {  	[sflag:s19] =	ssyncadd.s32 $0xFFFFC000  }
0x61: {  	[spmem:s10] =	stream.linear.scatter [tilespmem:s18], [sflag:$0x1], $0x4000, $0x38;
	[tilespmem:$0x18680] =	vst v63  }
0x62: {  	_ =	swait.ge [sflag:s19], $0x4000  }
0x63: {  	[sflag:s19] =	ssyncset.done $0x0  }
0x64: {  	[sflag:s19] =	ssyncadd.s32 $0xFFFFC000  }
0x65: {  	[spmem:s11] =	stream.linear.scatter [tilespmem:s18], [sflag:$0x1], $0x4000, $0x38;
	[tilespmem:$0x18680] =	vst v63  }
0x66: {  	_ =	swait.ge [sflag:s19], $0x4000  }
0x67: {  	[sflag:s19] =	ssyncset.done $0x0  }
0x68: {  	[sflag:s19] =	ssyncadd.s32 $0xFFFFC000  }
0x69: {  	[spmem:s12] =	stream.linear.scatter [tilespmem:s20], [sflag:$0x1], $0x280, $0x38;
	[tilespmem:$0x18680] =	vst v63  }
0x6a: {  	_ =	swait.ge [sflag:s19], $0x280  }
0x6b: {  	[sflag:s19] =	ssyncset.done $0x0  }
0x6c: {  	[sflag:s19] =	ssyncadd.s32 $0xFFFFFD80  }
0x6d: {  	s30 =	sadd.s32 $0x0, s16;
	[bflag:$0x0] =	sbarrier.arrive $0xFFFF  }
0x6e: {  	[tilespmem:s5], [sflag:$0x1] =	stream.linear.gather [hbm4b:s30+s5], $0x80, $0x38;
	[tilespmem:$0x18680] =	vst v63  }
0x6f: {  	s31 =	sadd.s32 $0x0, s17;
	_ =	swait.ge [sflag:s19], $0x80  }
0x70: {  	s26 =	sxor.u32 $0x10, s31;
	[sflag:s19] =	ssyncset.done $0x0  }
0x71: {  	s26 =	sadd.s32 s0, s26;
	[sflag:s19] =	ssyncadd.s32 $0xFFFFFF80  }
0x72: {  	[tilespmem:s21], [sflag:$0x1] =	stream.linear.gather [hbm4b:s26+s5], $0x80, $0x38;
	[tilespmem:$0x18680] =	vst v63  }
0x73: {  	_ =	swait.ge [sflag:s19], $0x80  }
0x74: {  	[sflag:s19] =	ssyncset.done $0x0  }
0x75: {  	[sflag:s19] =	ssyncadd.s32 $0xFFFFFF80  }
0x76: {  	[tilespmem:s18], [sflag:$0x1] =	stream.indirect.gather [hbm4b:s6+s21], $0x80, s5, s21, $0xb8;
	[tilespmem:$0x18680] =	vst v63  }
0x77: {  	_ =	swait.ge [sflag:s19], $0x4000  }
0x78: {  	[sflag:s19] =	ssyncset.done $0x0  }
0x79: {  	[sflag:s19] =	ssyncadd.s32 $0xFFFFC000  }
0x7a: {  	[spmem:s3] =	stream.indirect.scatter.add.f32 [tilespmem:s18], [sflag:$0x1], $0x80, s21, s21, $0xb8;
	[tilespmem:$0x18680] =	vst v63  }
0x7b: {  	_ =	swait.ge [sflag:s19], $0x4000  }
0x7c: {  	[sflag:s19] =	ssyncset.done $0x0  }
0x7d: {  	[sflag:s19] =	ssyncadd.s32 $0xFFFFC000  }
0x7e: {  	[spmem:s4] =	stream.indirect.scatter.add.f32 [tilespmem:s22], [sflag:$0x1], $0x1, s21, s21, $0xb8;
	[tilespmem:$0x18680] =	vst v63  }
0x7f: {  	_ =	swait.ge [sflag:s19], $0x80  }
0x80: {  	s28 =	simm.s32 $0x40;
	s26 =	simm.s32 $0x20;
	[sflag:s19] =	ssyncset.done $0x0  }
.LBB2_4:
0x81: {  	s29 =	sadd.s32 s26, s16  }
0x82: {  	[sflag:s19] =	ssyncadd.s32 $0xFFFFFF80;
	s30 =	smov.u32 s28;
	s31 =	sadd.s32 $0x20, s28  }
0x83: {  	[tilespmem:s5], [sflag:$0x1] =	stream.linear.gather [hbm4b:s29+s5], $0x80, $0x38;
	[tilespmem:$0x18680] =	vst v63  }
0x84: {  	p0 =	sne.s32 s28, $0x1380;
	s26 =	sadd.s32 s26, s17;
	_ =	swait.ge [sflag:s19], $0x80  }
0x85: {  	s28 =	sxor.u32 $0x10, s26;
	s26 =	smov.u32 s30;
	[sflag:s19] =	ssyncset.done $0x0  }
0x86: {  	s28 =	sadd.s32 s0, s28;
	[sflag:s19] =	ssyncadd.s32 $0xFFFFFF80  }
0x87: {  	[tilespmem:s21], [sflag:$0x1] =	stream.linear.gather [hbm4b:s28+s5], $0x80, $0x38;
	[tilespmem:$0x18680] =	vst v63  }
0x88: {  	_ =	swait.ge [sflag:s19], $0x80  }
0x89: {  	[sflag:s19] =	ssyncset.done $0x0  }
0x8a: {  	[sflag:s19] =	ssyncadd.s32 $0xFFFFFF80  }
0x8b: {  	[tilespmem:s18], [sflag:$0x1] =	stream.indirect.gather [hbm4b:s6+s21], $0x80, s5, s21, $0xb8;
	[tilespmem:$0x18680] =	vst v63  }
0x8c: {  	_ =	swait.ge [sflag:s19], $0x4000  }
0x8d: {  	[sflag:s19] =	ssyncset.done $0x0  }
0x8e: {  	[sflag:s19] =	ssyncadd.s32 $0xFFFFC000  }
0x8f: {  	[spmem:s3] =	stream.indirect.scatter.add.f32 [tilespmem:s18], [sflag:$0x1], $0x80, s21, s21, $0xb8;
	[tilespmem:$0x18680] =	vst v63  }
0x90: {  	_ =	swait.ge [sflag:s19], $0x4000  }
.Ltmp1:
0x91: {  	[sflag:s19] =	ssyncset.done $0x0;
	(pc) =	sbr.rel @p0 .LBB2_4-.Ltmp1, $4  }
0x92: {  	[sflag:s19] =	ssyncadd.s32 $0xFFFFC000  }
0x93: {  	[spmem:s4] =	stream.indirect.scatter.add.f32 [tilespmem:s22], [sflag:$0x1], $0x1, s21, s21, $0xb8;
	[tilespmem:$0x18680] =	vst v63  }
0x94: {  	_ =	swait.ge [sflag:s19], $0x80  }
0x95: {  	s28 =	smov.u32 s31;
	[sflag:s19] =	ssyncset.done $0x0  }
0x96: {  	s28 =	sadd.s32 s26, s16;
	[sflag:s19] =	ssyncadd.s32 $0xFFFFFF80  }
0x97: {  	[tilespmem:s5], [sflag:$0x1] =	stream.linear.gather [hbm4b:s28+s5], $0x80, $0x38;
	[tilespmem:$0x18680] =	vst v63  }
0x98: {  	s28 =	sadd.s32 s26, s17;
	_ =	swait.ge [sflag:s19], $0x80  }
0x99: {  	s26 =	sxor.u32 $0x10, s28;
	[sflag:s19] =	ssyncset.done $0x0  }
0x9a: {  	s26 =	sadd.s32 s0, s26;
	[sflag:s19] =	ssyncadd.s32 $0xFFFFFF80  }
0x9b: {  	[tilespmem:s21], [sflag:$0x1] =	stream.linear.gather [hbm4b:s26+s5], $0x80, $0x38;
	[tilespmem:$0x18680] =	vst v63  }
0x9c: {  	_ =	swait.ge [sflag:s19], $0x80  }
0x9d: {  	[sflag:s19] =	ssyncset.done $0x0  }
0x9e: {  	[sflag:s19] =	ssyncadd.s32 $0xFFFFFF80  }
0x9f: {  	[tilespmem:s18], [sflag:$0x1] =	stream.indirect.gather [hbm4b:s6+s21], $0x80, s5, s21, $0xb8;
	[tilespmem:$0x18680] =	vst v63  }
0xa0: {  	_ =	swait.ge [sflag:s19], $0x4000  }
0xa1: {  	[sflag:s19] =	ssyncset.done $0x0  }
0xa2: {  	[sflag:s19] =	ssyncadd.s32 $0xFFFFC000  }
0xa3: {  	[spmem:s3] =	stream.indirect.scatter.add.f32 [tilespmem:s18], [sflag:$0x1], $0x80, s21, s21, $0xb8;
	[tilespmem:$0x18680] =	vst v63  }
0xa4: {  	_ =	swait.ge [sflag:s19], $0x4000  }
0xa5: {  	[sflag:s19] =	ssyncset.done $0x0  }
0xa6: {  	[sflag:s19] =	ssyncadd.s32 $0xFFFFC000  }
0xa7: {  	[spmem:s4] =	stream.indirect.scatter.add.f32 [tilespmem:s22], [sflag:$0x1], $0x1, s21, s21, $0xb8;
	[tilespmem:$0x18680] =	vst v63  }
0xa8: {  	_ =	swait.ge [sflag:s19], $0x80  }
0xa9: {  	[sflag:s19] =	ssyncset.done $0x0  }
0xaa: {  	s29 =	sshll.u32 s2, $0x6;
	[sflag:s19] =	ssyncadd.s32 $0xFFFFFF80  }
0xab: {  	s30 =	sshrl.u32 s7, $0x3;
	s26 =	sor.u32 $0x1C01, s29;
	[bflag:$0x0] =	sbarrier.arrive $0xFFFF  }
0xac: {  	[hbm:s13], [sflag:s26] =	dma.local [spmem:s30], $0x2800  }
0xad: {  	s25 =	sadd.s32 $0x1, s25;
	_ =	swait.ge [sflag:s19], $0x2800  }
0xae: {  	p0 =	sne.s32 s25, s15;
	[sflag:s19] =	ssyncset.done $0x0  }
.Ltmp2:
0xaf: {  	s31 =	sshrl.u32 s12, $0x3;
	[sflag:s19] =	ssyncadd.s32 $0xFFFFD800;
	(pc) =	sbr.rel @p0 .LBB2_1-.Ltmp2, $4  }
0xb0: {  	[hbm:s14@s23], [sflag:s26] =	dma.strided [spmem:s31@s24], $0x50, s19, $0x10   }
0xb1: {  	_ =	swait.ge [sflag:s19], $0x50  }
0xb2: {  	[sflag:s19] =	ssyncset.done $0x0  }
0xb3: {  	[sflag:s19] =	ssyncadd.s32 $0xFFFFFFB0  }
0xb4: {  	_ =	sfence.sel $0x180000  }
0xb5: {  	[bflag:$0x0] =	sbarrier.arrive $0xFFFF  }
0xb6: {  	p0 =	sne.s32 s2, $0x0;
	_ =	strace $0x90000047  }
0xb7: {  	s0 =	sadd.s32 @!p0 $0x100000, s1;
	[bflag:$0x2] =	sbarrier.arrive $0xFFFF  }
0xb8: {  	[sflag:s0] =	ssyncadd.tile.s32 @!p0 $0x1;
	_ =	shalt  }
.Lfunc_end2:
_tile_overlayer_lowered:
.L_overlay_start_2:
0xb9: {  	(tag) =	ssettag $0x2  }
0xba: {  	s0 =	rddreg [dreg:$0x0];
	s2 =	stileid.u32  }
0xbb: {  	s1 =	rddreg [dreg:$0x1];
	p0 =	sne.s32 s2, $0x0  }
0xbc: {  	s3 =	rddreg [dreg:$0x2];
	[bflag:$0x3] =	sbarrier.arrive $0xFFFF;
	s2 =	simm.s32 @!p0 $0x1C01  }
0xbd: {  	[timem:s3], [sflag:s2] =	dma.local @!p0 [hbm:s0], s1  }
0xbe: {  	s0 =	simm.s32 @!p0 $0x1  }
0xbf: {  	_ =	swait.ge @!p0 [sflag:s0], s1  }
0xc0: {  	s1 =	ssub.s32 @!p0 $0x0, s1;
	[sflag:s0] =	ssyncset.done @!p0 $0x0  }
0xc1: {  	[sflag:s0] =	ssyncadd.s32 @!p0 s1  }
0xc2: {  	[bflag:$0x3] =	sbarrier.arrive $0xFFFF  }
0xc3: {  	_ =	shalt  }

</sc_bundles>
